<compile_context>
chip_gen: v7x
topology: tpu7x:2x2x1
jax: 0.10.2.dev20260603
libtpu: 0.0.44.dev20260713+nightly
codegen_flags: <defaults>
</compile_context>

<pallas_src>
import functools

import jax
import jax.numpy as jnp
from jax import lax
from jax.experimental import pallas as pl
from jax.experimental.pallas import tpu as pltpu
from jax.experimental.pallas import tpu_sc as plsc

_D = 128
_BATCH = 4096
_SEQ = 50
_NC = 2
_NS = 16
_NW = _NC * _NS
_RPW = _BATCH // _NW
_NBUF = 6

_mesh = plsc.VectorSubcoreMesh(core_axis_name="c", subcore_axis_name="s")


@functools.partial(
    pl.kernel,
    mesh=_mesh,
    out_type=jax.ShapeDtypeStruct((_SEQ, _BATCH, _D), jnp.float32),
    scratch_types=[
        pltpu.VMEM((_SEQ, _RPW), jnp.int32),
        pltpu.VMEM((_NBUF, _RPW, _D), jnp.float32),
        pltpu.SemaphoreType.DMA,
        pltpu.SemaphoreType.DMA,
    ],
)
def _embed_lookup(idx_hbm, table_hbm, out_hbm, idx_v, rows_v, gsem, ssem):
    wid = lax.axis_index("s") * _NC + lax.axis_index("c")
    base = wid * _RPW
    pltpu.sync_copy(idx_hbm.at[:, wid], idx_v)

    def gather(j, b):
        return pltpu.make_async_copy(
            table_hbm.at[idx_v.at[j]], rows_v.at[b], gsem)

    def scatter(j, b):
        return pltpu.make_async_copy(
            rows_v.at[b], out_hbm.at[j, pl.ds(base, _RPW)], ssem)

    def gather_d(j):
        return pltpu.make_async_copy(
            table_hbm.at[idx_v.at[j]], rows_v.at[j % _NBUF], gsem)

    def scatter_d(j):
        return pltpu.make_async_copy(
            rows_v.at[j % _NBUF], out_hbm.at[j, pl.ds(base, _RPW)], ssem)

    for b in range(_NBUF):
        gather(b, b).start()

    gather(0, 0).wait()
    scatter(0, 0).start()

    @pl.loop(1, _SEQ - _NBUF + 1)
    def _step(j):
        gather_d(j).wait()
        scatter_d(j).start()
        scatter_d(j - 1).wait()
        gather_d(j - 1 + _NBUF).start()

    for j in range(_SEQ - _NBUF + 1, _SEQ):
        b = j % _NBUF
        gather(j, b).wait()
        scatter(j, b).start()
        scatter(j - 1, (j - 1) % _NBUF).wait()
    scatter(_SEQ - 1, (_SEQ - 1) % _NBUF).wait()


def kernel(x, table):
    idx = jnp.swapaxes(x, 0, 1).reshape(_SEQ, _NW, _RPW)
    raw = _embed_lookup(idx, table)
    return jnp.swapaxes(raw, 0, 1)

# --- scband reference (transcript-rebuilt; emitter-appended) ---
"""Pipeline reference for scband-transformer-embedding-86440511799998 (READ-ONLY COPY).

The authoritative reference and input builder live on the scoring server;
editing this copy changes nothing except your own understanding.
"""

import jax, jax.numpy as jnp
import numpy as np

VOCAB = 1000000
D_MODEL = 128
BATCH = 4096
SEQ = 50


def setup_inputs(seed: int = 0) -> dict:
    key = jax.random.key(seed)
    k1, k2 = jax.random.split(key)
    x = jax.random.randint(k1, (BATCH, SEQ), 0, VOCAB, dtype=jnp.int32)
    # learned token embedding table (token_embed = nn.Embedding(VOCAB, D_MODEL))
    table = jax.random.normal(k2, (VOCAB, D_MODEL), dtype=jnp.float32)
    return {"x": x, "table": table}


def reference(x, table):
    # self.embedding = nn.Sequential(token_embed, pos_embed)
    # token_embed: gather rows from the embedding table
    out = jnp.take(table, x, axis=0)  # [B, S, D]
    # pos_embed = Identity (no-op)
    # dropout with p=0 in eval mode -> identity
    return out

if __name__ == "__main__":
    import jax
    _d = setup_inputs()
    print(jax.jit(kernel)(*tuple(_d.values())))

</pallas_src>

<mosaic_0001>
#map = affine_map<(d0, d1) -> (0, 0, 0)>
#map1 = affine_map<(d0, d1) -> (0, 0)>
module attributes {stable_mosaic.version = 14 : i64} {
  func.func @_embed_lookup(%arg0: i32, %arg1: i32, %arg2: memref<50x32x128xi32, #tpu.memory_space<hbm>>, %arg3: memref<1000000x128xf32, #tpu.memory_space<hbm>>, %arg4: memref<50x4096x128xf32, #tpu.memory_space<hbm>>, %arg5: memref<50x128xi32, #tpu.memory_space<vmem>>, %arg6: memref<6x128x128xf32, #tpu.memory_space<vmem>>, %arg7: memref<!tpu.dma_semaphore, #tpu.memory_space<semaphore_mem>>, %arg8: memref<!tpu.dma_semaphore, #tpu.memory_space<semaphore_mem>>) attributes {dimension_semantics = [#tpu.dimension_semantics<core_parallel>, #tpu.dimension_semantics<subcore_parallel>], iteration_bounds = array<i64: 2, 16>, scalar_prefetch = 0 : i64, scratch_operands = 4 : i64, tpu.core_type = #tpu.core_type<sc_vector_subcore>, window_params = [{transform_indices = #map}, {transform_indices = #map1}, {transform_indices = #map}]} {
    %mul3A = arith.constant 2 : i32
    %mul3A_0 = arith.muli %arg1, %mul3A : i32
    %add3A = arith.addi %mul3A_0, %arg0 : i32
    %mul3A_1 = arith.constant 128 : i32
    %mul3A_2 = arith.muli %add3A, %mul3A_1 : i32
    "tpu.region"() ({
      %run_scoped3A = tpu.sem_alloc : memref<!tpu.dma_semaphore, #tpu.memory_space<semaphore_mem>>
      %dma_start3A_341 = arith.constant 0 : i32
      %dma_start3A_342 = arith.constant 0 : i32
      %dma_start3A_343 = tpu.memref_slice %arg2[%dma_start3A_341, %add3A, %dma_start3A_342] : memref<50x32x128xi32, #tpu.memory_space<hbm>> -> memref<50x1x128xi32, #tpu.memory_space<hbm>>
      %dma_start3A_344 = tpu.memref_squeeze %dma_start3A_343 : memref<50x1x128xi32, #tpu.memory_space<hbm>> -> memref<50x128xi32, #tpu.memory_space<hbm>>
      %dma_start3A_345 = arith.constant 0 : i32
      %dma_start3A_346 = arith.constant 0 : i32
      %dma_start3A_347 = tpu.memref_slice %arg2[%dma_start3A_345, %add3A, %dma_start3A_346] : memref<50x32x128xi32, #tpu.memory_space<hbm>> -> memref<50x1x128xi32, #tpu.memory_space<hbm>>
      %dma_start3A_348 = tpu.memref_squeeze %dma_start3A_347 : memref<50x1x128xi32, #tpu.memory_space<hbm>> -> memref<50x128xi32, #tpu.memory_space<hbm>>
      tpu.enqueue_dma source(%dma_start3A_348 : memref<50x128xi32, #tpu.memory_space<hbm>>) target(%arg5 : memref<50x128xi32, #tpu.memory_space<vmem>>) target_semaphore(%run_scoped3A : memref<!tpu.dma_semaphore, #tpu.memory_space<semaphore_mem>>)
      %dma_wait3A_349 = arith.constant 0 : i32
      %dma_wait3A_350 = arith.constant 0 : i32
      %dma_wait3A_351 = tpu.memref_slice %arg2[%dma_wait3A_349, %add3A, %dma_wait3A_350] : memref<50x32x128xi32, #tpu.memory_space<hbm>> -> memref<50x1x128xi32, #tpu.memory_space<hbm>>
      %dma_wait3A_352 = tpu.memref_squeeze %dma_wait3A_351 : memref<50x1x128xi32, #tpu.memory_space<hbm>> -> memref<50x128xi32, #tpu.memory_space<hbm>>
      %dma_wait3A_353 = arith.constant 0 : i32
      %dma_wait3A_354 = arith.constant 0 : i32
      %dma_wait3A_355 = tpu.memref_slice %arg2[%dma_wait3A_353, %add3A, %dma_wait3A_354] : memref<50x32x128xi32, #tpu.memory_space<hbm>> -> memref<50x1x128xi32, #tpu.memory_space<hbm>>
      %dma_wait3A_356 = tpu.memref_squeeze %dma_wait3A_355 : memref<50x1x128xi32, #tpu.memory_space<hbm>> -> memref<50x128xi32, #tpu.memory_space<hbm>>
      tpu.wait_dma2 semaphore(%run_scoped3A : memref<!tpu.dma_semaphore, #tpu.memory_space<semaphore_mem>>) src(%dma_wait3A_356 : memref<50x128xi32, #tpu.memory_space<hbm>>) dst(%arg5 : memref<50x128xi32, #tpu.memory_space<vmem>>)
      tpu.yield
    }) : () -> ()
    %dma_start3A = arith.constant 0 : i32
    %dma_start3A_3 = arith.constant 0 : i32
    %dma_start3A_4 = arith.constant 0 : i32
    %dma_start3A_5 = arith.constant 0 : i32
    %dma_start3A_6 = tpu.memref_slice %arg6[%dma_start3A_3, %dma_start3A_4, %dma_start3A_5] : memref<6x128x128xf32, #tpu.memory_space<vmem>> -> memref<1x128x128xf32, #tpu.memory_space<vmem>>
    %dma_start3A_7 = tpu.memref_squeeze %dma_start3A_6 : memref<1x128x128xf32, #tpu.memory_space<vmem>> -> memref<128x128xf32, #tpu.memory_space<vmem>>
    %dma_start3A_8 = arith.constant 0 : i32
    %dma_start3A_9 = tpu.memref_slice %arg5[%dma_start3A, %dma_start3A_8] : memref<50x128xi32, #tpu.memory_space<vmem>> -> memref<1x128xi32, #tpu.memory_space<vmem>>
    %dma_start3A_10 = tpu.memref_squeeze %dma_start3A_9 : memref<1x128xi32, #tpu.memory_space<vmem>> -> memref<128xi32, #tpu.memory_space<vmem>>
    %dma_start3A_11 = arith.constant 0 : i32
    %dma_start3A_12 = arith.constant 0 : i32
    %dma_start3A_13 = tpu.memref_slice %arg3[%dma_start3A_11, %dma_start3A_12] : memref<1000000x128xf32, #tpu.memory_space<hbm>> -> memref<1000000x128xf32, #tpu.memory_space<hbm>>
    tpu.enqueue_indirect_dma source(%dma_start3A_13 : memref<1000000x128xf32, #tpu.memory_space<hbm>>) target(%dma_start3A_7 : memref<128x128xf32, #tpu.memory_space<vmem>>) offsets(%dma_start3A_10 : memref<128xi32, #tpu.memory_space<vmem>>) semaphore(%arg7 : memref<!tpu.dma_semaphore, #tpu.memory_space<semaphore_mem>>)
    %dma_start3A_14 = arith.constant 1 : i32
    %dma_start3A_15 = arith.constant 1 : i32
    %dma_start3A_16 = arith.constant 0 : i32
    %dma_start3A_17 = arith.constant 0 : i32
    %dma_start3A_18 = tpu.memref_slice %arg6[%dma_start3A_15, %dma_start3A_16, %dma_start3A_17] : memref<6x128x128xf32, #tpu.memory_space<vmem>> -> memref<1x128x128xf32, #tpu.memory_space<vmem>>
    %dma_start3A_19 = tpu.memref_squeeze %dma_start3A_18 : memref<1x128x128xf32, #tpu.memory_space<vmem>> -> memref<128x128xf32, #tpu.memory_space<vmem>>
    %dma_start3A_20 = arith.constant 0 : i32
    %dma_start3A_21 = tpu.memref_slice %arg5[%dma_start3A_14, %dma_start3A_20] : memref<50x128xi32, #tpu.memory_space<vmem>> -> memref<1x128xi32, #tpu.memory_space<vmem>>
    %dma_start3A_22 = tpu.memref_squeeze %dma_start3A_21 : memref<1x128xi32, #tpu.memory_space<vmem>> -> memref<128xi32, #tpu.memory_space<vmem>>
    %dma_start3A_23 = arith.constant 0 : i32
    %dma_start3A_24 = arith.constant 0 : i32
    %dma_start3A_25 = tpu.memref_slice %arg3[%dma_start3A_23, %dma_start3A_24] : memref<1000000x128xf32, #tpu.memory_space<hbm>> -> memref<1000000x128xf32, #tpu.memory_space<hbm>>
    tpu.enqueue_indirect_dma source(%dma_start3A_25 : memref<1000000x128xf32, #tpu.memory_space<hbm>>) target(%dma_start3A_19 : memref<128x128xf32, #tpu.memory_space<vmem>>) offsets(%dma_start3A_22 : memref<128xi32, #tpu.memory_space<vmem>>) semaphore(%arg7 : memref<!tpu.dma_semaphore, #tpu.memory_space<semaphore_mem>>)
    %dma_start3A_26 = arith.constant 2 : i32
    %dma_start3A_27 = arith.constant 2 : i32
    %dma_start3A_28 = arith.constant 0 : i32
    %dma_start3A_29 = arith.constant 0 : i32
    %dma_start3A_30 = tpu.memref_slice %arg6[%dma_start3A_27, %dma_start3A_28, %dma_start3A_29] : memref<6x128x128xf32, #tpu.memory_space<vmem>> -> memref<1x128x128xf32, #tpu.memory_space<vmem>>
    %dma_start3A_31 = tpu.memref_squeeze %dma_start3A_30 : memref<1x128x128xf32, #tpu.memory_space<vmem>> -> memref<128x128xf32, #tpu.memory_space<vmem>>
    %dma_start3A_32 = arith.constant 0 : i32
    %dma_start3A_33 = tpu.memref_slice %arg5[%dma_start3A_26, %dma_start3A_32] : memref<50x128xi32, #tpu.memory_space<vmem>> -> memref<1x128xi32, #tpu.memory_space<vmem>>
    %dma_start3A_34 = tpu.memref_squeeze %dma_start3A_33 : memref<1x128xi32, #tpu.memory_space<vmem>> -> memref<128xi32, #tpu.memory_space<vmem>>
    %dma_start3A_35 = arith.constant 0 : i32
    %dma_start3A_36 = arith.constant 0 : i32
    %dma_start3A_37 = tpu.memref_slice %arg3[%dma_start3A_35, %dma_start3A_36] : memref<1000000x128xf32, #tpu.memory_space<hbm>> -> memref<1000000x128xf32, #tpu.memory_space<hbm>>
    tpu.enqueue_indirect_dma source(%dma_start3A_37 : memref<1000000x128xf32, #tpu.memory_space<hbm>>) target(%dma_start3A_31 : memref<128x128xf32, #tpu.memory_space<vmem>>) offsets(%dma_start3A_34 : memref<128xi32, #tpu.memory_space<vmem>>) semaphore(%arg7 : memref<!tpu.dma_semaphore, #tpu.memory_space<semaphore_mem>>)
    %dma_start3A_38 = arith.constant 3 : i32
    %dma_start3A_39 = arith.constant 3 : i32
    %dma_start3A_40 = arith.constant 0 : i32
    %dma_start3A_41 = arith.constant 0 : i32
    %dma_start3A_42 = tpu.memref_slice %arg6[%dma_start3A_39, %dma_start3A_40, %dma_start3A_41] : memref<6x128x128xf32, #tpu.memory_space<vmem>> -> memref<1x128x128xf32, #tpu.memory_space<vmem>>
    %dma_start3A_43 = tpu.memref_squeeze %dma_start3A_42 : memref<1x128x128xf32, #tpu.memory_space<vmem>> -> memref<128x128xf32, #tpu.memory_space<vmem>>
    %dma_start3A_44 = arith.constant 0 : i32
    %dma_start3A_45 = tpu.memref_slice %arg5[%dma_start3A_38, %dma_start3A_44] : memref<50x128xi32, #tpu.memory_space<vmem>> -> memref<1x128xi32, #tpu.memory_space<vmem>>
    %dma_start3A_46 = tpu.memref_squeeze %dma_start3A_45 : memref<1x128xi32, #tpu.memory_space<vmem>> -> memref<128xi32, #tpu.memory_space<vmem>>
    %dma_start3A_47 = arith.constant 0 : i32
    %dma_start3A_48 = arith.constant 0 : i32
    %dma_start3A_49 = tpu.memref_slice %arg3[%dma_start3A_47, %dma_start3A_48] : memref<1000000x128xf32, #tpu.memory_space<hbm>> -> memref<1000000x128xf32, #tpu.memory_space<hbm>>
    tpu.enqueue_indirect_dma source(%dma_start3A_49 : memref<1000000x128xf32, #tpu.memory_space<hbm>>) target(%dma_start3A_43 : memref<128x128xf32, #tpu.memory_space<vmem>>) offsets(%dma_start3A_46 : memref<128xi32, #tpu.memory_space<vmem>>) semaphore(%arg7 : memref<!tpu.dma_semaphore, #tpu.memory_space<semaphore_mem>>)
    %dma_start3A_50 = arith.constant 4 : i32
    %dma_start3A_51 = arith.constant 4 : i32
    %dma_start3A_52 = arith.constant 0 : i32
    %dma_start3A_53 = arith.constant 0 : i32
    %dma_start3A_54 = tpu.memref_slice %arg6[%dma_start3A_51, %dma_start3A_52, %dma_start3A_53] : memref<6x128x128xf32, #tpu.memory_space<vmem>> -> memref<1x128x128xf32, #tpu.memory_space<vmem>>
    %dma_start3A_55 = tpu.memref_squeeze %dma_start3A_54 : memref<1x128x128xf32, #tpu.memory_space<vmem>> -> memref<128x128xf32, #tpu.memory_space<vmem>>
    %dma_start3A_56 = arith.constant 0 : i32
    %dma_start3A_57 = tpu.memref_slice %arg5[%dma_start3A_50, %dma_start3A_56] : memref<50x128xi32, #tpu.memory_space<vmem>> -> memref<1x128xi32, #tpu.memory_space<vmem>>
    %dma_start3A_58 = tpu.memref_squeeze %dma_start3A_57 : memref<1x128xi32, #tpu.memory_space<vmem>> -> memref<128xi32, #tpu.memory_space<vmem>>
    %dma_start3A_59 = arith.constant 0 : i32
    %dma_start3A_60 = arith.constant 0 : i32
    %dma_start3A_61 = tpu.memref_slice %arg3[%dma_start3A_59, %dma_start3A_60] : memref<1000000x128xf32, #tpu.memory_space<hbm>> -> memref<1000000x128xf32, #tpu.memory_space<hbm>>
    tpu.enqueue_indirect_dma source(%dma_start3A_61 : memref<1000000x128xf32, #tpu.memory_space<hbm>>) target(%dma_start3A_55 : memref<128x128xf32, #tpu.memory_space<vmem>>) offsets(%dma_start3A_58 : memref<128xi32, #tpu.memory_space<vmem>>) semaphore(%arg7 : memref<!tpu.dma_semaphore, #tpu.memory_space<semaphore_mem>>)
    %dma_start3A_62 = arith.constant 5 : i32
    %dma_start3A_63 = arith.constant 5 : i32
    %dma_start3A_64 = arith.constant 0 : i32
    %dma_start3A_65 = arith.constant 0 : i32
    %dma_start3A_66 = tpu.memref_slice %arg6[%dma_start3A_63, %dma_start3A_64, %dma_start3A_65] : memref<6x128x128xf32, #tpu.memory_space<vmem>> -> memref<1x128x128xf32, #tpu.memory_space<vmem>>
    %dma_start3A_67 = tpu.memref_squeeze %dma_start3A_66 : memref<1x128x128xf32, #tpu.memory_space<vmem>> -> memref<128x128xf32, #tpu.memory_space<vmem>>
    %dma_start3A_68 = arith.constant 0 : i32
    %dma_start3A_69 = tpu.memref_slice %arg5[%dma_start3A_62, %dma_start3A_68] : memref<50x128xi32, #tpu.memory_space<vmem>> -> memref<1x128xi32, #tpu.memory_space<vmem>>
    %dma_start3A_70 = tpu.memref_squeeze %dma_start3A_69 : memref<1x128xi32, #tpu.memory_space<vmem>> -> memref<128xi32, #tpu.memory_space<vmem>>
    %dma_start3A_71 = arith.constant 0 : i32
    %dma_start3A_72 = arith.constant 0 : i32
    %dma_start3A_73 = tpu.memref_slice %arg3[%dma_start3A_71, %dma_start3A_72] : memref<1000000x128xf32, #tpu.memory_space<hbm>> -> memref<1000000x128xf32, #tpu.memory_space<hbm>>
    tpu.enqueue_indirect_dma source(%dma_start3A_73 : memref<1000000x128xf32, #tpu.memory_space<hbm>>) target(%dma_start3A_67 : memref<128x128xf32, #tpu.memory_space<vmem>>) offsets(%dma_start3A_70 : memref<128xi32, #tpu.memory_space<vmem>>) semaphore(%arg7 : memref<!tpu.dma_semaphore, #tpu.memory_space<semaphore_mem>>)
    %dma_wait3A = arith.constant 0 : i32
    %dma_wait3A_74 = arith.constant 0 : i32
    %dma_wait3A_75 = arith.constant 0 : i32
    %dma_wait3A_76 = arith.constant 0 : i32
    %dma_wait3A_77 = tpu.memref_slice %arg6[%dma_wait3A_74, %dma_wait3A_75, %dma_wait3A_76] : memref<6x128x128xf32, #tpu.memory_space<vmem>> -> memref<1x128x128xf32, #tpu.memory_space<vmem>>
    %dma_wait3A_78 = tpu.memref_squeeze %dma_wait3A_77 : memref<1x128x128xf32, #tpu.memory_space<vmem>> -> memref<128x128xf32, #tpu.memory_space<vmem>>
    %dma_wait3A_79 = arith.constant 0 : i32
    %dma_wait3A_80 = tpu.memref_slice %arg5[%dma_wait3A, %dma_wait3A_79] : memref<50x128xi32, #tpu.memory_space<vmem>> -> memref<1x128xi32, #tpu.memory_space<vmem>>
    %dma_wait3A_81 = tpu.memref_squeeze %dma_wait3A_80 : memref<1x128xi32, #tpu.memory_space<vmem>> -> memref<128xi32, #tpu.memory_space<vmem>>
    %dma_wait3A_82 = arith.constant 0 : i32
    %dma_wait3A_83 = arith.constant 0 : i32
    %dma_wait3A_84 = tpu.memref_slice %arg3[%dma_wait3A_82, %dma_wait3A_83] : memref<1000000x128xf32, #tpu.memory_space<hbm>> -> memref<1000000x128xf32, #tpu.memory_space<hbm>>
    tpu.wait_indirect_dma semaphore(%arg7 : memref<!tpu.dma_semaphore, #tpu.memory_space<semaphore_mem>>) src(%dma_wait3A_84 : memref<1000000x128xf32, #tpu.memory_space<hbm>>) dst(%dma_wait3A_78 : memref<128x128xf32, #tpu.memory_space<vmem>>)
    %dma_start3A_85 = arith.constant 0 : i32
    %dma_start3A_86 = arith.constant 0 : i32
    %dma_start3A_87 = arith.constant 0 : i32
    %dma_start3A_88 = arith.constant 0 : i32
    %dma_start3A_89 = tpu.memref_slice %arg6[%dma_start3A_85, %dma_start3A_87, %dma_start3A_88] : memref<6x128x128xf32, #tpu.memory_space<vmem>> -> memref<1x128x128xf32, #tpu.memory_space<vmem>>
    %dma_start3A_90 = tpu.memref_squeeze %dma_start3A_89 : memref<1x128x128xf32, #tpu.memory_space<vmem>> -> memref<128x128xf32, #tpu.memory_space<vmem>>
    %dma_start3A_91 = arith.constant 0 : i32
    %dma_start3A_92 = tpu.memref_slice %arg4[%dma_start3A_86, %mul3A_2, %dma_start3A_91] : memref<50x4096x128xf32, #tpu.memory_space<hbm>> -> memref<1x128x128xf32, #tpu.memory_space<hbm>>
    %dma_start3A_93 = tpu.memref_squeeze %dma_start3A_92 : memref<1x128x128xf32, #tpu.memory_space<hbm>> -> memref<128x128xf32, #tpu.memory_space<hbm>>
    %dma_start3A_94 = arith.constant 0 : i32
    %dma_start3A_95 = tpu.memref_slice %arg4[%dma_start3A_86, %mul3A_2, %dma_start3A_94] : memref<50x4096x128xf32, #tpu.memory_space<hbm>> -> memref<1x128x128xf32, #tpu.memory_space<hbm>>
    %dma_start3A_96 = tpu.memref_squeeze %dma_start3A_95 : memref<1x128x128xf32, #tpu.memory_space<hbm>> -> memref<128x128xf32, #tpu.memory_space<hbm>>
    %dma_start3A_97 = arith.constant 0 : i32
    %dma_start3A_98 = arith.constant 0 : i32
    %dma_start3A_99 = tpu.memref_slice %arg6[%dma_start3A_85, %dma_start3A_97, %dma_start3A_98] : memref<6x128x128xf32, #tpu.memory_space<vmem>> -> memref<1x128x128xf32, #tpu.memory_space<vmem>>
    %dma_start3A_100 = tpu.memref_squeeze %dma_start3A_99 : memref<1x128x128xf32, #tpu.memory_space<vmem>> -> memref<128x128xf32, #tpu.memory_space<vmem>>
    tpu.enqueue_dma source(%dma_start3A_100 : memref<128x128xf32, #tpu.memory_space<vmem>>) target(%dma_start3A_96 : memref<128x128xf32, #tpu.memory_space<hbm>>) target_semaphore(%arg8 : memref<!tpu.dma_semaphore, #tpu.memory_space<semaphore_mem>>)
    %scan3A = arith.constant 0 : i32
    %scan3A_101 = arith.constant 44 : i32
    %scan3A_102 = arith.addi %scan3A, %scan3A_101 : i32
    %scan3A_103 = arith.constant 1 : i32
    scf.for %scan3A_341 = %scan3A to %scan3A_102 step %scan3A_103  : i32 {
      %mul3A_342 = arith.constant 1 : i32
      %mul3A_343 = arith.muli %scan3A_341, %mul3A_342 : i32
      %add3A_344 = arith.constant 1 : i32
      %add3A_345 = arith.addi %add3A_344, %mul3A_343 : i32
      %jit3A = arith.constant 6 : i32
      %eq3A = arith.constant 0 : i32
      %eq3A_346 = arith.cmpi eq, %jit3A, %eq3A : i32
      %jit3A_347 = arith.constant 1 : i32
      %select_n3A = arith.select %eq3A_346, %jit3A_347, %jit3A : i32
      %rem3A = arith.remsi %add3A_345, %select_n3A : i32
      %ne3A = arith.constant 0 : i32
      %ne3A_348 = arith.cmpi ne, %rem3A, %ne3A : i32
      %lt3A = arith.constant 0 : i32
      %lt3A_349 = arith.cmpi slt, %rem3A, %lt3A : i32
      %lt3A_350 = arith.constant 0 : i32
      %lt3A_351 = arith.cmpi slt, %select_n3A, %lt3A_350 : i32
      %ne3A_352 = arith.xori %lt3A_349, %lt3A_351 : i1
      %and3A = arith.andi %ne3A_352, %ne3A_348 : i1
      %add3A_353 = arith.addi %rem3A, %select_n3A : i32
      %select_n3A_354 = arith.select %and3A, %add3A_353, %rem3A : i32
      %dma_wait3A_355 = arith.constant 0 : i32
      %dma_wait3A_356 = arith.constant 0 : i32
      %dma_wait3A_357 = tpu.memref_slice %arg6[%select_n3A_354, %dma_wait3A_355, %dma_wait3A_356] : memref<6x128x128xf32, #tpu.memory_space<vmem>> -> memref<1x128x128xf32, #tpu.memory_space<vmem>>
      %dma_wait3A_358 = tpu.memref_squeeze %dma_wait3A_357 : memref<1x128x128xf32, #tpu.memory_space<vmem>> -> memref<128x128xf32, #tpu.memory_space<vmem>>
      %dma_wait3A_359 = arith.constant 0 : i32
      %dma_wait3A_360 = tpu.memref_slice %arg5[%add3A_345, %dma_wait3A_359] : memref<50x128xi32, #tpu.memory_space<vmem>> -> memref<1x128xi32, #tpu.memory_space<vmem>>
      %dma_wait3A_361 = tpu.memref_squeeze %dma_wait3A_360 : memref<1x128xi32, #tpu.memory_space<vmem>> -> memref<128xi32, #tpu.memory_space<vmem>>
      %dma_wait3A_362 = arith.constant 0 : i32
      %dma_wait3A_363 = arith.constant 0 : i32
      %dma_wait3A_364 = tpu.memref_slice %arg3[%dma_wait3A_362, %dma_wait3A_363] : memref<1000000x128xf32, #tpu.memory_space<hbm>> -> memref<1000000x128xf32, #tpu.memory_space<hbm>>
      tpu.wait_indirect_dma semaphore(%arg7 : memref<!tpu.dma_semaphore, #tpu.memory_space<semaphore_mem>>) src(%dma_wait3A_364 : memref<1000000x128xf32, #tpu.memory_space<hbm>>) dst(%dma_wait3A_358 : memref<128x128xf32, #tpu.memory_space<vmem>>)
      %jit3A_365 = arith.constant 6 : i32
      %eq3A_366 = arith.constant 0 : i32
      %eq3A_367 = arith.cmpi eq, %jit3A_365, %eq3A_366 : i32
      %jit3A_368 = arith.constant 1 : i32
      %select_n3A_369 = arith.select %eq3A_367, %jit3A_368, %jit3A_365 : i32
      %rem3A_370 = arith.remsi %add3A_345, %select_n3A_369 : i32
      %ne3A_371 = arith.constant 0 : i32
      %ne3A_372 = arith.cmpi ne, %rem3A_370, %ne3A_371 : i32
      %lt3A_373 = arith.constant 0 : i32
      %lt3A_374 = arith.cmpi slt, %rem3A_370, %lt3A_373 : i32
      %lt3A_375 = arith.constant 0 : i32
      %lt3A_376 = arith.cmpi slt, %select_n3A_369, %lt3A_375 : i32
      %ne3A_377 = arith.xori %lt3A_374, %lt3A_376 : i1
      %and3A_378 = arith.andi %ne3A_377, %ne3A_372 : i1
      %add3A_379 = arith.addi %rem3A_370, %select_n3A_369 : i32
      %select_n3A_380 = arith.select %and3A_378, %add3A_379, %rem3A_370 : i32
      %dma_start3A_381 = arith.constant 0 : i32
      %dma_start3A_382 = arith.constant 0 : i32
      %dma_start3A_383 = tpu.memref_slice %arg6[%select_n3A_380, %dma_start3A_381, %dma_start3A_382] : memref<6x128x128xf32, #tpu.memory_space<vmem>> -> memref<1x128x128xf32, #tpu.memory_space<vmem>>
      %dma_start3A_384 = tpu.memref_squeeze %dma_start3A_383 : memref<1x128x128xf32, #tpu.memory_space<vmem>> -> memref<128x128xf32, #tpu.memory_space<vmem>>
      %dma_start3A_385 = arith.constant 0 : i32
      %dma_start3A_386 = tpu.memref_slice %arg4[%add3A_345, %mul3A_2, %dma_start3A_385] : memref<50x4096x128xf32, #tpu.memory_space<hbm>> -> memref<1x128x128xf32, #tpu.memory_space<hbm>>
      %dma_start3A_387 = tpu.memref_squeeze %dma_start3A_386 : memref<1x128x128xf32, #tpu.memory_space<hbm>> -> memref<128x128xf32, #tpu.memory_space<hbm>>
      %dma_start3A_388 = arith.constant 0 : i32
      %dma_start3A_389 = tpu.memref_slice %arg4[%add3A_345, %mul3A_2, %dma_start3A_388] : memref<50x4096x128xf32, #tpu.memory_space<hbm>> -> memref<1x128x128xf32, #tpu.memory_space<hbm>>
      %dma_start3A_390 = tpu.memref_squeeze %dma_start3A_389 : memref<1x128x128xf32, #tpu.memory_space<hbm>> -> memref<128x128xf32, #tpu.memory_space<hbm>>
      %dma_start3A_391 = arith.constant 0 : i32
      %dma_start3A_392 = arith.constant 0 : i32
      %dma_start3A_393 = tpu.memref_slice %arg6[%select_n3A_380, %dma_start3A_391, %dma_start3A_392] : memref<6x128x128xf32, #tpu.memory_space<vmem>> -> memref<1x128x128xf32, #tpu.memory_space<vmem>>
      %dma_start3A_394 = tpu.memref_squeeze %dma_start3A_393 : memref<1x128x128xf32, #tpu.memory_space<vmem>> -> memref<128x128xf32, #tpu.memory_space<vmem>>
      tpu.enqueue_dma source(%dma_start3A_394 : memref<128x128xf32, #tpu.memory_space<vmem>>) target(%dma_start3A_390 : memref<128x128xf32, #tpu.memory_space<hbm>>) target_semaphore(%arg8 : memref<!tpu.dma_semaphore, #tpu.memory_space<semaphore_mem>>)
      %sub3A = arith.constant 1 : i32
      %sub3A_395 = arith.subi %add3A_345, %sub3A : i32
      %jit3A_396 = arith.constant 6 : i32
      %eq3A_397 = arith.constant 0 : i32
      %eq3A_398 = arith.cmpi eq, %jit3A_396, %eq3A_397 : i32
      %jit3A_399 = arith.constant 1 : i32
      %select_n3A_400 = arith.select %eq3A_398, %jit3A_399, %jit3A_396 : i32
      %rem3A_401 = arith.remsi %sub3A_395, %select_n3A_400 : i32
      %ne3A_402 = arith.constant 0 : i32
      %ne3A_403 = arith.cmpi ne, %rem3A_401, %ne3A_402 : i32
      %lt3A_404 = arith.constant 0 : i32
      %lt3A_405 = arith.cmpi slt, %rem3A_401, %lt3A_404 : i32
      %lt3A_406 = arith.constant 0 : i32
      %lt3A_407 = arith.cmpi slt, %select_n3A_400, %lt3A_406 : i32
      %ne3A_408 = arith.xori %lt3A_405, %lt3A_407 : i1
      %and3A_409 = arith.andi %ne3A_408, %ne3A_403 : i1
      %add3A_410 = arith.addi %rem3A_401, %select_n3A_400 : i32
      %select_n3A_411 = arith.select %and3A_409, %add3A_410, %rem3A_401 : i32
      %dma_wait3A_412 = arith.constant 0 : i32
      %dma_wait3A_413 = arith.constant 0 : i32
      %dma_wait3A_414 = tpu.memref_slice %arg6[%select_n3A_411, %dma_wait3A_412, %dma_wait3A_413] : memref<6x128x128xf32, #tpu.memory_space<vmem>> -> memref<1x128x128xf32, #tpu.memory_space<vmem>>
      %dma_wait3A_415 = tpu.memref_squeeze %dma_wait3A_414 : memref<1x128x128xf32, #tpu.memory_space<vmem>> -> memref<128x128xf32, #tpu.memory_space<vmem>>
      %dma_wait3A_416 = arith.constant 0 : i32
      %dma_wait3A_417 = tpu.memref_slice %arg4[%sub3A_395, %mul3A_2, %dma_wait3A_416] : memref<50x4096x128xf32, #tpu.memory_space<hbm>> -> memref<1x128x128xf32, #tpu.memory_space<hbm>>
      %dma_wait3A_418 = tpu.memref_squeeze %dma_wait3A_417 : memref<1x128x128xf32, #tpu.memory_space<hbm>> -> memref<128x128xf32, #tpu.memory_space<hbm>>
      %dma_wait3A_419 = arith.constant 0 : i32
      %dma_wait3A_420 = tpu.memref_slice %arg4[%sub3A_395, %mul3A_2, %dma_wait3A_419] : memref<50x4096x128xf32, #tpu.memory_space<hbm>> -> memref<1x128x128xf32, #tpu.memory_space<hbm>>
      %dma_wait3A_421 = tpu.memref_squeeze %dma_wait3A_420 : memref<1x128x128xf32, #tpu.memory_space<hbm>> -> memref<128x128xf32, #tpu.memory_space<hbm>>
      %dma_wait3A_422 = arith.constant 0 : i32
      %dma_wait3A_423 = arith.constant 0 : i32
      %dma_wait3A_424 = tpu.memref_slice %arg6[%select_n3A_411, %dma_wait3A_422, %dma_wait3A_423] : memref<6x128x128xf32, #tpu.memory_space<vmem>> -> memref<1x128x128xf32, #tpu.memory_space<vmem>>
      %dma_wait3A_425 = tpu.memref_squeeze %dma_wait3A_424 : memref<1x128x128xf32, #tpu.memory_space<vmem>> -> memref<128x128xf32, #tpu.memory_space<vmem>>
      tpu.wait_dma2 semaphore(%arg8 : memref<!tpu.dma_semaphore, #tpu.memory_space<semaphore_mem>>) src(%dma_wait3A_425 : memref<128x128xf32, #tpu.memory_space<vmem>>) dst(%dma_wait3A_421 : memref<128x128xf32, #tpu.memory_space<hbm>>)
      %sub3A_426 = arith.constant 1 : i32
      %sub3A_427 = arith.subi %add3A_345, %sub3A_426 : i32
      %add3A_428 = arith.constant 6 : i32
      %add3A_429 = arith.addi %sub3A_427, %add3A_428 : i32
      %jit3A_430 = arith.constant 6 : i32
      %eq3A_431 = arith.constant 0 : i32
      %eq3A_432 = arith.cmpi eq, %jit3A_430, %eq3A_431 : i32
      %jit3A_433 = arith.constant 1 : i32
      %select_n3A_434 = arith.select %eq3A_432, %jit3A_433, %jit3A_430 : i32
      %rem3A_435 = arith.remsi %add3A_429, %select_n3A_434 : i32
      %ne3A_436 = arith.constant 0 : i32
      %ne3A_437 = arith.cmpi ne, %rem3A_435, %ne3A_436 : i32
      %lt3A_438 = arith.constant 0 : i32
      %lt3A_439 = arith.cmpi slt, %rem3A_435, %lt3A_438 : i32
      %lt3A_440 = arith.constant 0 : i32
      %lt3A_441 = arith.cmpi slt, %select_n3A_434, %lt3A_440 : i32
      %ne3A_442 = arith.xori %lt3A_439, %lt3A_441 : i1
      %and3A_443 = arith.andi %ne3A_442, %ne3A_437 : i1
      %add3A_444 = arith.addi %rem3A_435, %select_n3A_434 : i32
      %select_n3A_445 = arith.select %and3A_443, %add3A_444, %rem3A_435 : i32
      %dma_start3A_446 = arith.constant 0 : i32
      %dma_start3A_447 = arith.constant 0 : i32
      %dma_start3A_448 = tpu.memref_slice %arg6[%select_n3A_445, %dma_start3A_446, %dma_start3A_447] : memref<6x128x128xf32, #tpu.memory_space<vmem>> -> memref<1x128x128xf32, #tpu.memory_space<vmem>>
      %dma_start3A_449 = tpu.memref_squeeze %dma_start3A_448 : memref<1x128x128xf32, #tpu.memory_space<vmem>> -> memref<128x128xf32, #tpu.memory_space<vmem>>
      %dma_start3A_450 = arith.constant 0 : i32
      %dma_start3A_451 = tpu.memref_slice %arg5[%add3A_429, %dma_start3A_450] : memref<50x128xi32, #tpu.memory_space<vmem>> -> memref<1x128xi32, #tpu.memory_space<vmem>>
      %dma_start3A_452 = tpu.memref_squeeze %dma_start3A_451 : memref<1x128xi32, #tpu.memory_space<vmem>> -> memref<128xi32, #tpu.memory_space<vmem>>
      %dma_start3A_453 = arith.constant 0 : i32
      %dma_start3A_454 = arith.constant 0 : i32
      %dma_start3A_455 = tpu.memref_slice %arg3[%dma_start3A_453, %dma_start3A_454] : memref<1000000x128xf32, #tpu.memory_space<hbm>> -> memref<1000000x128xf32, #tpu.memory_space<hbm>>
      tpu.enqueue_indirect_dma source(%dma_start3A_455 : memref<1000000x128xf32, #tpu.memory_space<hbm>>) target(%dma_start3A_449 : memref<128x128xf32, #tpu.memory_space<vmem>>) offsets(%dma_start3A_452 : memref<128xi32, #tpu.memory_space<vmem>>) semaphore(%arg7 : memref<!tpu.dma_semaphore, #tpu.memory_space<semaphore_mem>>)
    }
    %scan3A_104 = arith.constant 44 : i32
    %dma_wait3A_105 = arith.constant 45 : i32
    %dma_wait3A_106 = arith.constant 3 : i32
    %dma_wait3A_107 = arith.constant 0 : i32
    %dma_wait3A_108 = arith.constant 0 : i32
    %dma_wait3A_109 = tpu.memref_slice %arg6[%dma_wait3A_106, %dma_wait3A_107, %dma_wait3A_108] : memref<6x128x128xf32, #tpu.memory_space<vmem>> -> memref<1x128x128xf32, #tpu.memory_space<vmem>>
    %dma_wait3A_110 = tpu.memref_squeeze %dma_wait3A_109 : memref<1x128x128xf32, #tpu.memory_space<vmem>> -> memref<128x128xf32, #tpu.memory_space<vmem>>
    %dma_wait3A_111 = arith.constant 0 : i32
    %dma_wait3A_112 = tpu.memref_slice %arg5[%dma_wait3A_105, %dma_wait3A_111] : memref<50x128xi32, #tpu.memory_space<vmem>> -> memref<1x128xi32, #tpu.memory_space<vmem>>
    %dma_wait3A_113 = tpu.memref_squeeze %dma_wait3A_112 : memref<1x128xi32, #tpu.memory_space<vmem>> -> memref<128xi32, #tpu.memory_space<vmem>>
    %dma_wait3A_114 = arith.constant 0 : i32
    %dma_wait3A_115 = arith.constant 0 : i32
    %dma_wait3A_116 = tpu.memref_slice %arg3[%dma_wait3A_114, %dma_wait3A_115] : memref<1000000x128xf32, #tpu.memory_space<hbm>> -> memref<1000000x128xf32, #tpu.memory_space<hbm>>
    tpu.wait_indirect_dma semaphore(%arg7 : memref<!tpu.dma_semaphore, #tpu.memory_space<semaphore_mem>>) src(%dma_wait3A_116 : memref<1000000x128xf32, #tpu.memory_space<hbm>>) dst(%dma_wait3A_110 : memref<128x128xf32, #tpu.memory_space<vmem>>)
    %dma_start3A_117 = arith.constant 3 : i32
    %dma_start3A_118 = arith.constant 45 : i32
    %dma_start3A_119 = arith.constant 0 : i32
    %dma_start3A_120 = arith.constant 0 : i32
    %dma_start3A_121 = tpu.memref_slice %arg6[%dma_start3A_117, %dma_start3A_119, %dma_start3A_120] : memref<6x128x128xf32, #tpu.memory_space<vmem>> -> memref<1x128x128xf32, #tpu.memory_space<vmem>>
    %dma_start3A_122 = tpu.memref_squeeze %dma_start3A_121 : memref<1x128x128xf32, #tpu.memory_space<vmem>> -> memref<128x128xf32, #tpu.memory_space<vmem>>
    %dma_start3A_123 = arith.constant 0 : i32
    %dma_start3A_124 = tpu.memref_slice %arg4[%dma_start3A_118, %mul3A_2, %dma_start3A_123] : memref<50x4096x128xf32, #tpu.memory_space<hbm>> -> memref<1x128x128xf32, #tpu.memory_space<hbm>>
    %dma_start3A_125 = tpu.memref_squeeze %dma_start3A_124 : memref<1x128x128xf32, #tpu.memory_space<hbm>> -> memref<128x128xf32, #tpu.memory_space<hbm>>
    %dma_start3A_126 = arith.constant 0 : i32
    %dma_start3A_127 = tpu.memref_slice %arg4[%dma_start3A_118, %mul3A_2, %dma_start3A_126] : memref<50x4096x128xf32, #tpu.memory_space<hbm>> -> memref<1x128x128xf32, #tpu.memory_space<hbm>>
    %dma_start3A_128 = tpu.memref_squeeze %dma_start3A_127 : memref<1x128x128xf32, #tpu.memory_space<hbm>> -> memref<128x128xf32, #tpu.memory_space<hbm>>
    %dma_start3A_129 = arith.constant 0 : i32
    %dma_start3A_130 = arith.constant 0 : i32
    %dma_start3A_131 = tpu.memref_slice %arg6[%dma_start3A_117, %dma_start3A_129, %dma_start3A_130] : memref<6x128x128xf32, #tpu.memory_space<vmem>> -> memref<1x128x128xf32, #tpu.memory_space<vmem>>
    %dma_start3A_132 = tpu.memref_squeeze %dma_start3A_131 : memref<1x128x128xf32, #tpu.memory_space<vmem>> -> memref<128x128xf32, #tpu.memory_space<vmem>>
    tpu.enqueue_dma source(%dma_start3A_132 : memref<128x128xf32, #tpu.memory_space<vmem>>) target(%dma_start3A_128 : memref<128x128xf32, #tpu.memory_space<hbm>>) target_semaphore(%arg8 : memref<!tpu.dma_semaphore, #tpu.memory_space<semaphore_mem>>)
    %dma_wait3A_133 = arith.constant 2 : i32
    %dma_wait3A_134 = arith.constant 44 : i32
    %dma_wait3A_135 = arith.constant 0 : i32
    %dma_wait3A_136 = arith.constant 0 : i32
    %dma_wait3A_137 = tpu.memref_slice %arg6[%dma_wait3A_133, %dma_wait3A_135, %dma_wait3A_136] : memref<6x128x128xf32, #tpu.memory_space<vmem>> -> memref<1x128x128xf32, #tpu.memory_space<vmem>>
    %dma_wait3A_138 = tpu.memref_squeeze %dma_wait3A_137 : memref<1x128x128xf32, #tpu.memory_space<vmem>> -> memref<128x128xf32, #tpu.memory_space<vmem>>
    %dma_wait3A_139 = arith.constant 0 : i32
    %dma_wait3A_140 = tpu.memref_slice %arg4[%dma_wait3A_134, %mul3A_2, %dma_wait3A_139] : memref<50x4096x128xf32, #tpu.memory_space<hbm>> -> memref<1x128x128xf32, #tpu.memory_space<hbm>>
    %dma_wait3A_141 = tpu.memref_squeeze %dma_wait3A_140 : memref<1x128x128xf32, #tpu.memory_space<hbm>> -> memref<128x128xf32, #tpu.memory_space<hbm>>
    %dma_wait3A_142 = arith.constant 0 : i32
    %dma_wait3A_143 = tpu.memref_slice %arg4[%dma_wait3A_134, %mul3A_2, %dma_wait3A_142] : memref<50x4096x128xf32, #tpu.memory_space<hbm>> -> memref<1x128x128xf32, #tpu.memory_space<hbm>>
    %dma_wait3A_144 = tpu.memref_squeeze %dma_wait3A_143 : memref<1x128x128xf32, #tpu.memory_space<hbm>> -> memref<128x128xf32, #tpu.memory_space<hbm>>
    %dma_wait3A_145 = arith.constant 0 : i32
    %dma_wait3A_146 = arith.constant 0 : i32
    %dma_wait3A_147 = tpu.memref_slice %arg6[%dma_wait3A_133, %dma_wait3A_145, %dma_wait3A_146] : memref<6x128x128xf32, #tpu.memory_space<vmem>> -> memref<1x128x128xf32, #tpu.memory_space<vmem>>
    %dma_wait3A_148 = tpu.memref_squeeze %dma_wait3A_147 : memref<1x128x128xf32, #tpu.memory_space<vmem>> -> memref<128x128xf32, #tpu.memory_space<vmem>>
    tpu.wait_dma2 semaphore(%arg8 : memref<!tpu.dma_semaphore, #tpu.memory_space<semaphore_mem>>) src(%dma_wait3A_148 : memref<128x128xf32, #tpu.memory_space<vmem>>) dst(%dma_wait3A_144 : memref<128x128xf32, #tpu.memory_space<hbm>>)
    %dma_wait3A_149 = arith.constant 46 : i32
    %dma_wait3A_150 = arith.constant 4 : i32
    %dma_wait3A_151 = arith.constant 0 : i32
    %dma_wait3A_152 = arith.constant 0 : i32
    %dma_wait3A_153 = tpu.memref_slice %arg6[%dma_wait3A_150, %dma_wait3A_151, %dma_wait3A_152] : memref<6x128x128xf32, #tpu.memory_space<vmem>> -> memref<1x128x128xf32, #tpu.memory_space<vmem>>
    %dma_wait3A_154 = tpu.memref_squeeze %dma_wait3A_153 : memref<1x128x128xf32, #tpu.memory_space<vmem>> -> memref<128x128xf32, #tpu.memory_space<vmem>>
    %dma_wait3A_155 = arith.constant 0 : i32
    %dma_wait3A_156 = tpu.memref_slice %arg5[%dma_wait3A_149, %dma_wait3A_155] : memref<50x128xi32, #tpu.memory_space<vmem>> -> memref<1x128xi32, #tpu.memory_space<vmem>>
    %dma_wait3A_157 = tpu.memref_squeeze %dma_wait3A_156 : memref<1x128xi32, #tpu.memory_space<vmem>> -> memref<128xi32, #tpu.memory_space<vmem>>
    %dma_wait3A_158 = arith.constant 0 : i32
    %dma_wait3A_159 = arith.constant 0 : i32
    %dma_wait3A_160 = tpu.memref_slice %arg3[%dma_wait3A_158, %dma_wait3A_159] : memref<1000000x128xf32, #tpu.memory_space<hbm>> -> memref<1000000x128xf32, #tpu.memory_space<hbm>>
    tpu.wait_indirect_dma semaphore(%arg7 : memref<!tpu.dma_semaphore, #tpu.memory_space<semaphore_mem>>) src(%dma_wait3A_160 : memref<1000000x128xf32, #tpu.memory_space<hbm>>) dst(%dma_wait3A_154 : memref<128x128xf32, #tpu.memory_space<vmem>>)
    %dma_start3A_161 = arith.constant 4 : i32
    %dma_start3A_162 = arith.constant 46 : i32
    %dma_start3A_163 = arith.constant 0 : i32
    %dma_start3A_164 = arith.constant 0 : i32
    %dma_start3A_165 = tpu.memref_slice %arg6[%dma_start3A_161, %dma_start3A_163, %dma_start3A_164] : memref<6x128x128xf32, #tpu.memory_space<vmem>> -> memref<1x128x128xf32, #tpu.memory_space<vmem>>
    %dma_start3A_166 = tpu.memref_squeeze %dma_start3A_165 : memref<1x128x128xf32, #tpu.memory_space<vmem>> -> memref<128x128xf32, #tpu.memory_space<vmem>>
    %dma_start3A_167 = arith.constant 0 : i32
    %dma_start3A_168 = tpu.memref_slice %arg4[%dma_start3A_162, %mul3A_2, %dma_start3A_167] : memref<50x4096x128xf32, #tpu.memory_space<hbm>> -> memref<1x128x128xf32, #tpu.memory_space<hbm>>
    %dma_start3A_169 = tpu.memref_squeeze %dma_start3A_168 : memref<1x128x128xf32, #tpu.memory_space<hbm>> -> memref<128x128xf32, #tpu.memory_space<hbm>>
    %dma_start3A_170 = arith.constant 0 : i32
    %dma_start3A_171 = tpu.memref_slice %arg4[%dma_start3A_162, %mul3A_2, %dma_start3A_170] : memref<50x4096x128xf32, #tpu.memory_space<hbm>> -> memref<1x128x128xf32, #tpu.memory_space<hbm>>
    %dma_start3A_172 = tpu.memref_squeeze %dma_start3A_171 : memref<1x128x128xf32, #tpu.memory_space<hbm>> -> memref<128x128xf32, #tpu.memory_space<hbm>>
    %dma_start3A_173 = arith.constant 0 : i32
    %dma_start3A_174 = arith.constant 0 : i32
    %dma_start3A_175 = tpu.memref_slice %arg6[%dma_start3A_161, %dma_start3A_173, %dma_start3A_174] : memref<6x128x128xf32, #tpu.memory_space<vmem>> -> memref<1x128x128xf32, #tpu.memory_space<vmem>>
    %dma_start3A_176 = tpu.memref_squeeze %dma_start3A_175 : memref<1x128x128xf32, #tpu.memory_space<vmem>> -> memref<128x128xf32, #tpu.memory_space<vmem>>
    tpu.enqueue_dma source(%dma_start3A_176 : memref<128x128xf32, #tpu.memory_space<vmem>>) target(%dma_start3A_172 : memref<128x128xf32, #tpu.memory_space<hbm>>) target_semaphore(%arg8 : memref<!tpu.dma_semaphore, #tpu.memory_space<semaphore_mem>>)
    %dma_wait3A_177 = arith.constant 3 : i32
    %dma_wait3A_178 = arith.constant 45 : i32
    %dma_wait3A_179 = arith.constant 0 : i32
    %dma_wait3A_180 = arith.constant 0 : i32
    %dma_wait3A_181 = tpu.memref_slice %arg6[%dma_wait3A_177, %dma_wait3A_179, %dma_wait3A_180] : memref<6x128x128xf32, #tpu.memory_space<vmem>> -> memref<1x128x128xf32, #tpu.memory_space<vmem>>
    %dma_wait3A_182 = tpu.memref_squeeze %dma_wait3A_181 : memref<1x128x128xf32, #tpu.memory_space<vmem>> -> memref<128x128xf32, #tpu.memory_space<vmem>>
    %dma_wait3A_183 = arith.constant 0 : i32
    %dma_wait3A_184 = tpu.memref_slice %arg4[%dma_wait3A_178, %mul3A_2, %dma_wait3A_183] : memref<50x4096x128xf32, #tpu.memory_space<hbm>> -> memref<1x128x128xf32, #tpu.memory_space<hbm>>
    %dma_wait3A_185 = tpu.memref_squeeze %dma_wait3A_184 : memref<1x128x128xf32, #tpu.memory_space<hbm>> -> memref<128x128xf32, #tpu.memory_space<hbm>>
    %dma_wait3A_186 = arith.constant 0 : i32
    %dma_wait3A_187 = tpu.memref_slice %arg4[%dma_wait3A_178, %mul3A_2, %dma_wait3A_186] : memref<50x4096x128xf32, #tpu.memory_space<hbm>> -> memref<1x128x128xf32, #tpu.memory_space<hbm>>
    %dma_wait3A_188 = tpu.memref_squeeze %dma_wait3A_187 : memref<1x128x128xf32, #tpu.memory_space<hbm>> -> memref<128x128xf32, #tpu.memory_space<hbm>>
    %dma_wait3A_189 = arith.constant 0 : i32
    %dma_wait3A_190 = arith.constant 0 : i32
    %dma_wait3A_191 = tpu.memref_slice %arg6[%dma_wait3A_177, %dma_wait3A_189, %dma_wait3A_190] : memref<6x128x128xf32, #tpu.memory_space<vmem>> -> memref<1x128x128xf32, #tpu.memory_space<vmem>>
    %dma_wait3A_192 = tpu.memref_squeeze %dma_wait3A_191 : memref<1x128x128xf32, #tpu.memory_space<vmem>> -> memref<128x128xf32, #tpu.memory_space<vmem>>
    tpu.wait_dma2 semaphore(%arg8 : memref<!tpu.dma_semaphore, #tpu.memory_space<semaphore_mem>>) src(%dma_wait3A_192 : memref<128x128xf32, #tpu.memory_space<vmem>>) dst(%dma_wait3A_188 : memref<128x128xf32, #tpu.memory_space<hbm>>)
    %dma_wait3A_193 = arith.constant 47 : i32
    %dma_wait3A_194 = arith.constant 5 : i32
    %dma_wait3A_195 = arith.constant 0 : i32
    %dma_wait3A_196 = arith.constant 0 : i32
    %dma_wait3A_197 = tpu.memref_slice %arg6[%dma_wait3A_194, %dma_wait3A_195, %dma_wait3A_196] : memref<6x128x128xf32, #tpu.memory_space<vmem>> -> memref<1x128x128xf32, #tpu.memory_space<vmem>>
    %dma_wait3A_198 = tpu.memref_squeeze %dma_wait3A_197 : memref<1x128x128xf32, #tpu.memory_space<vmem>> -> memref<128x128xf32, #tpu.memory_space<vmem>>
    %dma_wait3A_199 = arith.constant 0 : i32
    %dma_wait3A_200 = tpu.memref_slice %arg5[%dma_wait3A_193, %dma_wait3A_199] : memref<50x128xi32, #tpu.memory_space<vmem>> -> memref<1x128xi32, #tpu.memory_space<vmem>>
    %dma_wait3A_201 = tpu.memref_squeeze %dma_wait3A_200 : memref<1x128xi32, #tpu.memory_space<vmem>> -> memref<128xi32, #tpu.memory_space<vmem>>
    %dma_wait3A_202 = arith.constant 0 : i32
    %dma_wait3A_203 = arith.constant 0 : i32
    %dma_wait3A_204 = tpu.memref_slice %arg3[%dma_wait3A_202, %dma_wait3A_203] : memref<1000000x128xf32, #tpu.memory_space<hbm>> -> memref<1000000x128xf32, #tpu.memory_space<hbm>>
    tpu.wait_indirect_dma semaphore(%arg7 : memref<!tpu.dma_semaphore, #tpu.memory_space<semaphore_mem>>) src(%dma_wait3A_204 : memref<1000000x128xf32, #tpu.memory_space<hbm>>) dst(%dma_wait3A_198 : memref<128x128xf32, #tpu.memory_space<vmem>>)
    %dma_start3A_205 = arith.constant 5 : i32
    %dma_start3A_206 = arith.constant 47 : i32
    %dma_start3A_207 = arith.constant 0 : i32
    %dma_start3A_208 = arith.constant 0 : i32
    %dma_start3A_209 = tpu.memref_slice %arg6[%dma_start3A_205, %dma_start3A_207, %dma_start3A_208] : memref<6x128x128xf32, #tpu.memory_space<vmem>> -> memref<1x128x128xf32, #tpu.memory_space<vmem>>
    %dma_start3A_210 = tpu.memref_squeeze %dma_start3A_209 : memref<1x128x128xf32, #tpu.memory_space<vmem>> -> memref<128x128xf32, #tpu.memory_space<vmem>>
    %dma_start3A_211 = arith.constant 0 : i32
    %dma_start3A_212 = tpu.memref_slice %arg4[%dma_start3A_206, %mul3A_2, %dma_start3A_211] : memref<50x4096x128xf32, #tpu.memory_space<hbm>> -> memref<1x128x128xf32, #tpu.memory_space<hbm>>
    %dma_start3A_213 = tpu.memref_squeeze %dma_start3A_212 : memref<1x128x128xf32, #tpu.memory_space<hbm>> -> memref<128x128xf32, #tpu.memory_space<hbm>>
    %dma_start3A_214 = arith.constant 0 : i32
    %dma_start3A_215 = tpu.memref_slice %arg4[%dma_start3A_206, %mul3A_2, %dma_start3A_214] : memref<50x4096x128xf32, #tpu.memory_space<hbm>> -> memref<1x128x128xf32, #tpu.memory_space<hbm>>
    %dma_start3A_216 = tpu.memref_squeeze %dma_start3A_215 : memref<1x128x128xf32, #tpu.memory_space<hbm>> -> memref<128x128xf32, #tpu.memory_space<hbm>>
    %dma_start3A_217 = arith.constant 0 : i32
    %dma_start3A_218 = arith.constant 0 : i32
    %dma_start3A_219 = tpu.memref_slice %arg6[%dma_start3A_205, %dma_start3A_217, %dma_start3A_218] : memref<6x128x128xf32, #tpu.memory_space<vmem>> -> memref<1x128x128xf32, #tpu.memory_space<vmem>>
    %dma_start3A_220 = tpu.memref_squeeze %dma_start3A_219 : memref<1x128x128xf32, #tpu.memory_space<vmem>> -> memref<128x128xf32, #tpu.memory_space<vmem>>
    tpu.enqueue_dma source(%dma_start3A_220 : memref<128x128xf32, #tpu.memory_space<vmem>>) target(%dma_start3A_216 : memref<128x128xf32, #tpu.memory_space<hbm>>) target_semaphore(%arg8 : memref<!tpu.dma_semaphore, #tpu.memory_space<semaphore_mem>>)
    %dma_wait3A_221 = arith.constant 4 : i32
    %dma_wait3A_222 = arith.constant 46 : i32
    %dma_wait3A_223 = arith.constant 0 : i32
    %dma_wait3A_224 = arith.constant 0 : i32
    %dma_wait3A_225 = tpu.memref_slice %arg6[%dma_wait3A_221, %dma_wait3A_223, %dma_wait3A_224] : memref<6x128x128xf32, #tpu.memory_space<vmem>> -> memref<1x128x128xf32, #tpu.memory_space<vmem>>
    %dma_wait3A_226 = tpu.memref_squeeze %dma_wait3A_225 : memref<1x128x128xf32, #tpu.memory_space<vmem>> -> memref<128x128xf32, #tpu.memory_space<vmem>>
    %dma_wait3A_227 = arith.constant 0 : i32
    %dma_wait3A_228 = tpu.memref_slice %arg4[%dma_wait3A_222, %mul3A_2, %dma_wait3A_227] : memref<50x4096x128xf32, #tpu.memory_space<hbm>> -> memref<1x128x128xf32, #tpu.memory_space<hbm>>
    %dma_wait3A_229 = tpu.memref_squeeze %dma_wait3A_228 : memref<1x128x128xf32, #tpu.memory_space<hbm>> -> memref<128x128xf32, #tpu.memory_space<hbm>>
    %dma_wait3A_230 = arith.constant 0 : i32
    %dma_wait3A_231 = tpu.memref_slice %arg4[%dma_wait3A_222, %mul3A_2, %dma_wait3A_230] : memref<50x4096x128xf32, #tpu.memory_space<hbm>> -> memref<1x128x128xf32, #tpu.memory_space<hbm>>
    %dma_wait3A_232 = tpu.memref_squeeze %dma_wait3A_231 : memref<1x128x128xf32, #tpu.memory_space<hbm>> -> memref<128x128xf32, #tpu.memory_space<hbm>>
    %dma_wait3A_233 = arith.constant 0 : i32
    %dma_wait3A_234 = arith.constant 0 : i32
    %dma_wait3A_235 = tpu.memref_slice %arg6[%dma_wait3A_221, %dma_wait3A_233, %dma_wait3A_234] : memref<6x128x128xf32, #tpu.memory_space<vmem>> -> memref<1x128x128xf32, #tpu.memory_space<vmem>>
    %dma_wait3A_236 = tpu.memref_squeeze %dma_wait3A_235 : memref<1x128x128xf32, #tpu.memory_space<vmem>> -> memref<128x128xf32, #tpu.memory_space<vmem>>
    tpu.wait_dma2 semaphore(%arg8 : memref<!tpu.dma_semaphore, #tpu.memory_space<semaphore_mem>>) src(%dma_wait3A_236 : memref<128x128xf32, #tpu.memory_space<vmem>>) dst(%dma_wait3A_232 : memref<128x128xf32, #tpu.memory_space<hbm>>)
    %dma_wait3A_237 = arith.constant 48 : i32
    %dma_wait3A_238 = arith.constant 0 : i32
    %dma_wait3A_239 = arith.constant 0 : i32
    %dma_wait3A_240 = arith.constant 0 : i32
    %dma_wait3A_241 = tpu.memref_slice %arg6[%dma_wait3A_238, %dma_wait3A_239, %dma_wait3A_240] : memref<6x128x128xf32, #tpu.memory_space<vmem>> -> memref<1x128x128xf32, #tpu.memory_space<vmem>>
    %dma_wait3A_242 = tpu.memref_squeeze %dma_wait3A_241 : memref<1x128x128xf32, #tpu.memory_space<vmem>> -> memref<128x128xf32, #tpu.memory_space<vmem>>
    %dma_wait3A_243 = arith.constant 0 : i32
    %dma_wait3A_244 = tpu.memref_slice %arg5[%dma_wait3A_237, %dma_wait3A_243] : memref<50x128xi32, #tpu.memory_space<vmem>> -> memref<1x128xi32, #tpu.memory_space<vmem>>
    %dma_wait3A_245 = tpu.memref_squeeze %dma_wait3A_244 : memref<1x128xi32, #tpu.memory_space<vmem>> -> memref<128xi32, #tpu.memory_space<vmem>>
    %dma_wait3A_246 = arith.constant 0 : i32
    %dma_wait3A_247 = arith.constant 0 : i32
    %dma_wait3A_248 = tpu.memref_slice %arg3[%dma_wait3A_246, %dma_wait3A_247] : memref<1000000x128xf32, #tpu.memory_space<hbm>> -> memref<1000000x128xf32, #tpu.memory_space<hbm>>
    tpu.wait_indirect_dma semaphore(%arg7 : memref<!tpu.dma_semaphore, #tpu.memory_space<semaphore_mem>>) src(%dma_wait3A_248 : memref<1000000x128xf32, #tpu.memory_space<hbm>>) dst(%dma_wait3A_242 : memref<128x128xf32, #tpu.memory_space<vmem>>)
    %dma_start3A_249 = arith.constant 0 : i32
    %dma_start3A_250 = arith.constant 48 : i32
    %dma_start3A_251 = arith.constant 0 : i32
    %dma_start3A_252 = arith.constant 0 : i32
    %dma_start3A_253 = tpu.memref_slice %arg6[%dma_start3A_249, %dma_start3A_251, %dma_start3A_252] : memref<6x128x128xf32, #tpu.memory_space<vmem>> -> memref<1x128x128xf32, #tpu.memory_space<vmem>>
    %dma_start3A_254 = tpu.memref_squeeze %dma_start3A_253 : memref<1x128x128xf32, #tpu.memory_space<vmem>> -> memref<128x128xf32, #tpu.memory_space<vmem>>
    %dma_start3A_255 = arith.constant 0 : i32
    %dma_start3A_256 = tpu.memref_slice %arg4[%dma_start3A_250, %mul3A_2, %dma_start3A_255] : memref<50x4096x128xf32, #tpu.memory_space<hbm>> -> memref<1x128x128xf32, #tpu.memory_space<hbm>>
    %dma_start3A_257 = tpu.memref_squeeze %dma_start3A_256 : memref<1x128x128xf32, #tpu.memory_space<hbm>> -> memref<128x128xf32, #tpu.memory_space<hbm>>
    %dma_start3A_258 = arith.constant 0 : i32
    %dma_start3A_259 = tpu.memref_slice %arg4[%dma_start3A_250, %mul3A_2, %dma_start3A_258] : memref<50x4096x128xf32, #tpu.memory_space<hbm>> -> memref<1x128x128xf32, #tpu.memory_space<hbm>>
    %dma_start3A_260 = tpu.memref_squeeze %dma_start3A_259 : memref<1x128x128xf32, #tpu.memory_space<hbm>> -> memref<128x128xf32, #tpu.memory_space<hbm>>
    %dma_start3A_261 = arith.constant 0 : i32
    %dma_start3A_262 = arith.constant 0 : i32
    %dma_start3A_263 = tpu.memref_slice %arg6[%dma_start3A_249, %dma_start3A_261, %dma_start3A_262] : memref<6x128x128xf32, #tpu.memory_space<vmem>> -> memref<1x128x128xf32, #tpu.memory_space<vmem>>
    %dma_start3A_264 = tpu.memref_squeeze %dma_start3A_263 : memref<1x128x128xf32, #tpu.memory_space<vmem>> -> memref<128x128xf32, #tpu.memory_space<vmem>>
    tpu.enqueue_dma source(%dma_start3A_264 : memref<128x128xf32, #tpu.memory_space<vmem>>) target(%dma_start3A_260 : memref<128x128xf32, #tpu.memory_space<hbm>>) target_semaphore(%arg8 : memref<!tpu.dma_semaphore, #tpu.memory_space<semaphore_mem>>)
    %dma_wait3A_265 = arith.constant 5 : i32
    %dma_wait3A_266 = arith.constant 47 : i32
    %dma_wait3A_267 = arith.constant 0 : i32
    %dma_wait3A_268 = arith.constant 0 : i32
    %dma_wait3A_269 = tpu.memref_slice %arg6[%dma_wait3A_265, %dma_wait3A_267, %dma_wait3A_268] : memref<6x128x128xf32, #tpu.memory_space<vmem>> -> memref<1x128x128xf32, #tpu.memory_space<vmem>>
    %dma_wait3A_270 = tpu.memref_squeeze %dma_wait3A_269 : memref<1x128x128xf32, #tpu.memory_space<vmem>> -> memref<128x128xf32, #tpu.memory_space<vmem>>
    %dma_wait3A_271 = arith.constant 0 : i32
    %dma_wait3A_272 = tpu.memref_slice %arg4[%dma_wait3A_266, %mul3A_2, %dma_wait3A_271] : memref<50x4096x128xf32, #tpu.memory_space<hbm>> -> memref<1x128x128xf32, #tpu.memory_space<hbm>>
    %dma_wait3A_273 = tpu.memref_squeeze %dma_wait3A_272 : memref<1x128x128xf32, #tpu.memory_space<hbm>> -> memref<128x128xf32, #tpu.memory_space<hbm>>
    %dma_wait3A_274 = arith.constant 0 : i32
    %dma_wait3A_275 = tpu.memref_slice %arg4[%dma_wait3A_266, %mul3A_2, %dma_wait3A_274] : memref<50x4096x128xf32, #tpu.memory_space<hbm>> -> memref<1x128x128xf32, #tpu.memory_space<hbm>>
    %dma_wait3A_276 = tpu.memref_squeeze %dma_wait3A_275 : memref<1x128x128xf32, #tpu.memory_space<hbm>> -> memref<128x128xf32, #tpu.memory_space<hbm>>
    %dma_wait3A_277 = arith.constant 0 : i32
    %dma_wait3A_278 = arith.constant 0 : i32
    %dma_wait3A_279 = tpu.memref_slice %arg6[%dma_wait3A_265, %dma_wait3A_277, %dma_wait3A_278] : memref<6x128x128xf32, #tpu.memory_space<vmem>> -> memref<1x128x128xf32, #tpu.memory_space<vmem>>
    %dma_wait3A_280 = tpu.memref_squeeze %dma_wait3A_279 : memref<1x128x128xf32, #tpu.memory_space<vmem>> -> memref<128x128xf32, #tpu.memory_space<vmem>>
    tpu.wait_dma2 semaphore(%arg8 : memref<!tpu.dma_semaphore, #tpu.memory_space<semaphore_mem>>) src(%dma_wait3A_280 : memref<128x128xf32, #tpu.memory_space<vmem>>) dst(%dma_wait3A_276 : memref<128x128xf32, #tpu.memory_space<hbm>>)
    %dma_wait3A_281 = arith.constant 49 : i32
    %dma_wait3A_282 = arith.constant 1 : i32
    %dma_wait3A_283 = arith.constant 0 : i32
    %dma_wait3A_284 = arith.constant 0 : i32
    %dma_wait3A_285 = tpu.memref_slice %arg6[%dma_wait3A_282, %dma_wait3A_283, %dma_wait3A_284] : memref<6x128x128xf32, #tpu.memory_space<vmem>> -> memref<1x128x128xf32, #tpu.memory_space<vmem>>
    %dma_wait3A_286 = tpu.memref_squeeze %dma_wait3A_285 : memref<1x128x128xf32, #tpu.memory_space<vmem>> -> memref<128x128xf32, #tpu.memory_space<vmem>>
    %dma_wait3A_287 = arith.constant 0 : i32
    %dma_wait3A_288 = tpu.memref_slice %arg5[%dma_wait3A_281, %dma_wait3A_287] : memref<50x128xi32, #tpu.memory_space<vmem>> -> memref<1x128xi32, #tpu.memory_space<vmem>>
    %dma_wait3A_289 = tpu.memref_squeeze %dma_wait3A_288 : memref<1x128xi32, #tpu.memory_space<vmem>> -> memref<128xi32, #tpu.memory_space<vmem>>
    %dma_wait3A_290 = arith.constant 0 : i32
    %dma_wait3A_291 = arith.constant 0 : i32
    %dma_wait3A_292 = tpu.memref_slice %arg3[%dma_wait3A_290, %dma_wait3A_291] : memref<1000000x128xf32, #tpu.memory_space<hbm>> -> memref<1000000x128xf32, #tpu.memory_space<hbm>>
    tpu.wait_indirect_dma semaphore(%arg7 : memref<!tpu.dma_semaphore, #tpu.memory_space<semaphore_mem>>) src(%dma_wait3A_292 : memref<1000000x128xf32, #tpu.memory_space<hbm>>) dst(%dma_wait3A_286 : memref<128x128xf32, #tpu.memory_space<vmem>>)
    %dma_start3A_293 = arith.constant 1 : i32
    %dma_start3A_294 = arith.constant 49 : i32
    %dma_start3A_295 = arith.constant 0 : i32
    %dma_start3A_296 = arith.constant 0 : i32
    %dma_start3A_297 = tpu.memref_slice %arg6[%dma_start3A_293, %dma_start3A_295, %dma_start3A_296] : memref<6x128x128xf32, #tpu.memory_space<vmem>> -> memref<1x128x128xf32, #tpu.memory_space<vmem>>
    %dma_start3A_298 = tpu.memref_squeeze %dma_start3A_297 : memref<1x128x128xf32, #tpu.memory_space<vmem>> -> memref<128x128xf32, #tpu.memory_space<vmem>>
    %dma_start3A_299 = arith.constant 0 : i32
    %dma_start3A_300 = tpu.memref_slice %arg4[%dma_start3A_294, %mul3A_2, %dma_start3A_299] : memref<50x4096x128xf32, #tpu.memory_space<hbm>> -> memref<1x128x128xf32, #tpu.memory_space<hbm>>
    %dma_start3A_301 = tpu.memref_squeeze %dma_start3A_300 : memref<1x128x128xf32, #tpu.memory_space<hbm>> -> memref<128x128xf32, #tpu.memory_space<hbm>>
    %dma_start3A_302 = arith.constant 0 : i32
    %dma_start3A_303 = tpu.memref_slice %arg4[%dma_start3A_294, %mul3A_2, %dma_start3A_302] : memref<50x4096x128xf32, #tpu.memory_space<hbm>> -> memref<1x128x128xf32, #tpu.memory_space<hbm>>
    %dma_start3A_304 = tpu.memref_squeeze %dma_start3A_303 : memref<1x128x128xf32, #tpu.memory_space<hbm>> -> memref<128x128xf32, #tpu.memory_space<hbm>>
    %dma_start3A_305 = arith.constant 0 : i32
    %dma_start3A_306 = arith.constant 0 : i32
    %dma_start3A_307 = tpu.memref_slice %arg6[%dma_start3A_293, %dma_start3A_305, %dma_start3A_306] : memref<6x128x128xf32, #tpu.memory_space<vmem>> -> memref<1x128x128xf32, #tpu.memory_space<vmem>>
    %dma_start3A_308 = tpu.memref_squeeze %dma_start3A_307 : memref<1x128x128xf32, #tpu.memory_space<vmem>> -> memref<128x128xf32, #tpu.memory_space<vmem>>
    tpu.enqueue_dma source(%dma_start3A_308 : memref<128x128xf32, #tpu.memory_space<vmem>>) target(%dma_start3A_304 : memref<128x128xf32, #tpu.memory_space<hbm>>) target_semaphore(%arg8 : memref<!tpu.dma_semaphore, #tpu.memory_space<semaphore_mem>>)
    %dma_wait3A_309 = arith.constant 0 : i32
    %dma_wait3A_310 = arith.constant 48 : i32
    %dma_wait3A_311 = arith.constant 0 : i32
    %dma_wait3A_312 = arith.constant 0 : i32
    %dma_wait3A_313 = tpu.memref_slice %arg6[%dma_wait3A_309, %dma_wait3A_311, %dma_wait3A_312] : memref<6x128x128xf32, #tpu.memory_space<vmem>> -> memref<1x128x128xf32, #tpu.memory_space<vmem>>
    %dma_wait3A_314 = tpu.memref_squeeze %dma_wait3A_313 : memref<1x128x128xf32, #tpu.memory_space<vmem>> -> memref<128x128xf32, #tpu.memory_space<vmem>>
    %dma_wait3A_315 = arith.constant 0 : i32
    %dma_wait3A_316 = tpu.memref_slice %arg4[%dma_wait3A_310, %mul3A_2, %dma_wait3A_315] : memref<50x4096x128xf32, #tpu.memory_space<hbm>> -> memref<1x128x128xf32, #tpu.memory_space<hbm>>
    %dma_wait3A_317 = tpu.memref_squeeze %dma_wait3A_316 : memref<1x128x128xf32, #tpu.memory_space<hbm>> -> memref<128x128xf32, #tpu.memory_space<hbm>>
    %dma_wait3A_318 = arith.constant 0 : i32
    %dma_wait3A_319 = tpu.memref_slice %arg4[%dma_wait3A_310, %mul3A_2, %dma_wait3A_318] : memref<50x4096x128xf32, #tpu.memory_space<hbm>> -> memref<1x128x128xf32, #tpu.memory_space<hbm>>
    %dma_wait3A_320 = tpu.memref_squeeze %dma_wait3A_319 : memref<1x128x128xf32, #tpu.memory_space<hbm>> -> memref<128x128xf32, #tpu.memory_space<hbm>>
    %dma_wait3A_321 = arith.constant 0 : i32
    %dma_wait3A_322 = arith.constant 0 : i32
    %dma_wait3A_323 = tpu.memref_slice %arg6[%dma_wait3A_309, %dma_wait3A_321, %dma_wait3A_322] : memref<6x128x128xf32, #tpu.memory_space<vmem>> -> memref<1x128x128xf32, #tpu.memory_space<vmem>>
    %dma_wait3A_324 = tpu.memref_squeeze %dma_wait3A_323 : memref<1x128x128xf32, #tpu.memory_space<vmem>> -> memref<128x128xf32, #tpu.memory_space<vmem>>
    tpu.wait_dma2 semaphore(%arg8 : memref<!tpu.dma_semaphore, #tpu.memory_space<semaphore_mem>>) src(%dma_wait3A_324 : memref<128x128xf32, #tpu.memory_space<vmem>>) dst(%dma_wait3A_320 : memref<128x128xf32, #tpu.memory_space<hbm>>)
    %dma_wait3A_325 = arith.constant 1 : i32
    %dma_wait3A_326 = arith.constant 49 : i32
    %dma_wait3A_327 = arith.constant 0 : i32
    %dma_wait3A_328 = arith.constant 0 : i32
    %dma_wait3A_329 = tpu.memref_slice %arg6[%dma_wait3A_325, %dma_wait3A_327, %dma_wait3A_328] : memref<6x128x128xf32, #tpu.memory_space<vmem>> -> memref<1x128x128xf32, #tpu.memory_space<vmem>>
    %dma_wait3A_330 = tpu.memref_squeeze %dma_wait3A_329 : memref<1x128x128xf32, #tpu.memory_space<vmem>> -> memref<128x128xf32, #tpu.memory_space<vmem>>
    %dma_wait3A_331 = arith.constant 0 : i32
    %dma_wait3A_332 = tpu.memref_slice %arg4[%dma_wait3A_326, %mul3A_2, %dma_wait3A_331] : memref<50x4096x128xf32, #tpu.memory_space<hbm>> -> memref<1x128x128xf32, #tpu.memory_space<hbm>>
    %dma_wait3A_333 = tpu.memref_squeeze %dma_wait3A_332 : memref<1x128x128xf32, #tpu.memory_space<hbm>> -> memref<128x128xf32, #tpu.memory_space<hbm>>
    %dma_wait3A_334 = arith.constant 0 : i32
    %dma_wait3A_335 = tpu.memref_slice %arg4[%dma_wait3A_326, %mul3A_2, %dma_wait3A_334] : memref<50x4096x128xf32, #tpu.memory_space<hbm>> -> memref<1x128x128xf32, #tpu.memory_space<hbm>>
    %dma_wait3A_336 = tpu.memref_squeeze %dma_wait3A_335 : memref<1x128x128xf32, #tpu.memory_space<hbm>> -> memref<128x128xf32, #tpu.memory_space<hbm>>
    %dma_wait3A_337 = arith.constant 0 : i32
    %dma_wait3A_338 = arith.constant 0 : i32
    %dma_wait3A_339 = tpu.memref_slice %arg6[%dma_wait3A_325, %dma_wait3A_337, %dma_wait3A_338] : memref<6x128x128xf32, #tpu.memory_space<vmem>> -> memref<1x128x128xf32, #tpu.memory_space<vmem>>
    %dma_wait3A_340 = tpu.memref_squeeze %dma_wait3A_339 : memref<1x128x128xf32, #tpu.memory_space<vmem>> -> memref<128x128xf32, #tpu.memory_space<vmem>>
    tpu.wait_dma2 semaphore(%arg8 : memref<!tpu.dma_semaphore, #tpu.memory_space<semaphore_mem>>) src(%dma_wait3A_340 : memref<128x128xf32, #tpu.memory_space<vmem>>) dst(%dma_wait3A_336 : memref<128x128xf32, #tpu.memory_space<hbm>>)
    return
  }
}

</mosaic_0001>

<sc_bundles>
// kernel: kernel.3.cloned.1.call-start
scs
__scs_entry_jumppad:
0x0: {  	(pc) =	sbr.rel $0x88, $3  }
0x1: {  	(tag) =	ssettag $0x0;
	lr =	simm.s32 $0x1  }
0x2: {  	[smem:$0x3F9F] =	sst lr;
	_ =	strace $0xD0000000  }
0x3: {  	_ = 	snop  }
0x4: {  	_ = 	snop  }
0x5: {  	_ = 	snop  }
0x6: {  	_ = 	snop  }
0x7: {  	_ = 	snop  }
__scs_overlays_trampoline_lowered:
0x8: {  	[smem:$0x3FAE] =	sst s0  }
0x9: {  	[smem:$0x3FAF] =	sst s1  }
0xa: {  	[smem:$0x3FB0] =	sst s2  }
0xb: {  	[smem:$0x3FB1] =	sst s3  }
0xc: {  	[smem:$0x3FB2] =	sst s4  }
0xd: {  	[smem:$0x3FB3] =	sst s5  }
0xe: {  	[smem:$0x3FB4] =	sst s6  }
0xf: {  	[smem:$0x3FB5] =	sst s7  }
0x10: {  	[smem:$0x3FB6] =	sst s8  }
0x11: {  	[smem:$0x3FB7] =	sst s9;
	s0 =	simm.s32 @!p0 $0x0  }
0x12: {  	s1 =	sld [smem:$0x3F9D];
	s0 =	simm.s32 @p0 $0x1  }
0x13: {  	[smem:$0x3FB8] =	sst s0;
	s0 =	simm.s32 @!p1 $0x0  }
0x14: {  	s2 =	sld [smem:$0x3F9C];
	s0 =	simm.s32 @p1 $0x1  }
0x15: {  	[smem:$0x3FB9] =	sst s0;
	s0 =	simm.s32 @!p2 $0x0  }
0x16: {  	s3 =	sld [smem:$0x3FDB];
	s0 =	simm.s32 @p2 $0x1  }
0x17: {  	s4 =	simm.s32 $0x1BF5;
	[smem:$0x3FBB] =	sst s0  }
0x18: {  	s0 =	sld [smem:$0x3F9E];
	_ =	swait.ge [sflag:s4], $0x0  }
0x19: {  	s7 =	sld [smem:$0x3F9F]  }
0x1a: {  	s8 =	sadd.s32 $0xFFFFE003, lr  }
0x1b: {  	s9 =	sadd.s32 $0xFFFFFEF7, lr;
	s5 =	simm.s32 $0xFFFFFFFF;
	p2 =	slt.u32 s8, $0xFFFFF086  }
0x1c: {  	p1 =	slt.u32 s9, $0xF7A;
	s5 =	simm.s32 @!p2 $0x0  }
0x1d: {  	s5 =	simm.s32 @p1 $0x1;
	p0 =	seq.s32 s7, s2  }
0x1e: {  	s7 =	smul.u32 @!p0 $0xF7A, s2;
	p2 =	seq.s32 @!p0 s5, $0x0  }
0x1f: {  	s9 =	smul.u32 $0xF7A, s1;
	s8 =	simm.s32 @!p0 $0x1BF5;
	p2 =	por !p2, p0  }
0x20: {  	[sflag:s8] =	ssyncset.s32 @!p0 $0xFFFFF086;
	s6 =	sadd.s32 @!p0 s3, s7;
	s7 =	simm.s32 @!p0 $0x108  }
0x21: {  	s3 =	sadd.s32 s3, s9;
	s6 =	sadd.s32 @!p0 $0x88, s6;
	s7 =	simm.s32 @p2 $0x1082  }
0x22: {  	[simem:s7], [sflag:s8] =	dma.local @!p0 [hbm:s6], $0xF7A  }
0x23: {  	s9 =	sor.u32 $0xD0000000, s2;
	s6 =	simm.s32 $0x108;
	_ =	swait.ge @!p0 [sflag:s8], $0x0  }
0x24: {  	s3 =	sadd.s32 $0x88, s3;
	s6 =	simm.s32 @!p1 $0x1082;
	[sflag:s4] =	ssyncset.s32 $0xFFFFF086  }
0x25: {  	[simem:s6], [sflag:s4] =	dma.local [hbm:s3], $0xF7A  }
0x26: {  	[smem:$0x3F9F] =	sst s1;
	(tag) =	ssettag s2;
	_ =	strace s9  }
0x27: {  	s1 =	sld [smem:$0x3FAF]  }
0x28: {  	s2 =	sld [smem:$0x3FB0]  }
0x29: {  	s4 =	sld [smem:$0x3FB2]  }
0x2a: {  	p0 =	seq.s32 s5, $0x0;
	s5 =	sld [smem:$0x3FB3]  }
0x2b: {  	s6 =	sld [smem:$0x3FB4]  }
0x2c: {  	s7 =	sld [smem:$0x3FB5]  }
0x2d: {  	s3 =	simm.s32 $0x108;
	s8 =	sld [smem:$0x3FB6]  }
0x2e: {  	s3 =	simm.s32 @!p0 $0x1082;
	s9 =	sld [smem:$0x3FB7]  }
0x2f: {  	lr =	sadd.s32 s0, s3;
	s0 =	sld [smem:$0x3FAE]  }
0x30: {  	s3 =	sld [smem:$0x3FB1]  }
0x31: {  	[smem:$0x3FBA] =	sst s10  }
0x32: {  	s10 =	sld [smem:$0x3FB8];
	_ =	sdelay $0x3  }
0x33: {  	p0 =	seq.s32 s10, $0x1;
	s10 =	sld [smem:$0x3FBA];
	_ =	sdelay $0x3  }
0x34: {  	[smem:$0x3FBA] =	sst s10  }
0x35: {  	s10 =	sld [smem:$0x3FB9];
	_ =	sdelay $0x3  }
0x36: {  	p1 =	seq.s32 s10, $0x1;
	s10 =	sld [smem:$0x3FBA];
	_ =	sdelay $0x3  }
0x37: {  	[smem:$0x3FBA] =	sst s10  }
0x38: {  	s10 =	sld [smem:$0x3FBB]  }
0x39: {  	_ = 	snop;
	(pc) =	sbr.ind lr, $3  }
0x3a: {  	_ = 	snop  }
0x3b: {  	_ = 	snop  }
0x3c: {  	p2 =	seq.s32 s10, $0x1;
	s10 =	sld [smem:$0x3FBA]  }
0x3d: {  	_ =	shalt  }
0x3e: {  	_ =	shalt  }
0x3f: {  	_ =	shalt  }
0x40: {  	_ =	shalt  }
0x41: {  	_ =	shalt  }
0x42: {  	_ =	shalt  }
0x43: {  	_ =	shalt  }
0x44: {  	_ =	shalt  }
0x45: {  	_ =	shalt  }
0x46: {  	_ =	shalt  }
0x47: {  	_ =	shalt  }
0x48: {  	_ =	shalt  }
0x49: {  	_ =	shalt  }
0x4a: {  	_ =	shalt  }
0x4b: {  	_ =	shalt  }
0x4c: {  	_ =	shalt  }
0x4d: {  	_ =	shalt  }
0x4e: {  	_ =	shalt  }
0x4f: {  	_ =	shalt  }
0x50: {  	_ =	shalt  }
0x51: {  	_ =	shalt  }
0x52: {  	_ =	shalt  }
0x53: {  	_ =	shalt  }
0x54: {  	_ =	shalt  }
0x55: {  	_ =	shalt  }
0x56: {  	_ =	shalt  }
0x57: {  	_ =	shalt  }
0x58: {  	_ =	shalt  }
0x59: {  	_ =	shalt  }
0x5a: {  	_ =	shalt  }
0x5b: {  	_ =	shalt  }
0x5c: {  	_ =	shalt  }
0x5d: {  	_ =	shalt  }
0x5e: {  	_ =	shalt  }
0x5f: {  	_ =	shalt  }
0x60: {  	_ =	shalt  }
0x61: {  	_ =	shalt  }
0x62: {  	_ =	shalt  }
0x63: {  	_ =	shalt  }
0x64: {  	_ =	shalt  }
0x65: {  	_ =	shalt  }
0x66: {  	_ =	shalt  }
0x67: {  	_ =	shalt  }
0x68: {  	_ =	shalt  }
0x69: {  	_ =	shalt  }
0x6a: {  	_ =	shalt  }
0x6b: {  	_ =	shalt  }
0x6c: {  	_ =	shalt  }
0x6d: {  	_ =	shalt  }
0x6e: {  	_ =	shalt  }
0x6f: {  	_ =	shalt  }
0x70: {  	_ =	shalt  }
0x71: {  	_ =	shalt  }
0x72: {  	_ =	shalt  }
0x73: {  	_ =	shalt  }
0x74: {  	_ =	shalt  }
0x75: {  	_ =	shalt  }
0x76: {  	_ =	shalt  }
0x77: {  	_ =	shalt  }
0x78: {  	_ =	shalt  }
0x79: {  	_ =	shalt  }
0x7a: {  	_ =	shalt  }
0x7b: {  	_ =	shalt  }
0x7c: {  	_ =	shalt  }
0x7d: {  	_ =	shalt  }
0x7e: {  	_ =	shalt  }
0x7f: {  	_ =	shalt  }
0x80: {  	_ =	shalt  }
0x81: {  	_ =	shalt  }
0x82: {  	_ =	shalt  }
0x83: {  	_ =	shalt  }
0x84: {  	_ =	shalt  }
0x85: {  	_ =	shalt  }
0x86: {  	_ =	shalt  }
0x87: {  	_ =	shalt  }
.Lfunc_end0:
.L_simem_size_0:
called_computation_lowered:
.L_overlay_start_0:
0x88: {  	s2 =	sld [smem:$0x3FD9]  }
0x89: {  	s3 =	sld [smem:$0x3FFE];
	_ =	sdelay $0x1  }
0x8a: {  	s1 =	srdreg.scid  }
0x8b: {  	s0 =	sand.u32 $0x1, s1  }
0x8c: {  	s17 =	sshll.u32 s0, $0xA;
	s2 =	sadd.s32 s3, s2  }
0x8d: {  	s2 =	sadd.s32 s2, s17  }
0x8e: {  	[smem:$0x3FC6] =	sst s2  }
0x8f: {  	_ = 	snop  }
0x90: {  	s2 =	sld [smem:$0x3FC8]  }
0x91: {  	s18 =	sld [smem:$0x3FD0];
	(tm) =	ssettm $0x1  }
0x92: {  	s4 =	sld [smem:$0x3FFB];
	_ =	sdelay $0x3  }
0x93: {  	_ =	strace s4  }
0x94: {  	s4 =	sld [smem:$0x3FFC];
	_ =	sdelay $0x3  }
0x95: {  	_ =	strace s4  }
0x96: {  	s4 =	sld [smem:$0x3FFD];
	_ =	sdelay $0x3  }
0x97: {  	_ =	strace s4  }
0x98: {  	_ =	strace $0x8FFFFFFF  }
0x99: {  	s19 =	sld [smem:$0x3FDB];
	_ =	sdelay $0x1  }
0x9a: {  	s5 =	simm.s32 $_scs_section_size  }
0x9b: {  	s6 =	simm.s32 $_size__tile_overlayer_lowered;
	s7 =	simm.s32 $_tile_overlayer_lowered  }
0x9c: {  	s22 =	simm.s32 $0x1BFF;
	s21 =	sshll.u32 s7, $0x1;
	s4 =	sadd.s32 s5, s19  }
0x9d: {  	s8 =	simm.s32 $0x0;
	s20 =	sshll.u32 s6, $0x1;
	s6 =	sadd.s32 s21, s4  }
0x9e: {  	[timem:s8], [sflag:s22] =	dma.local [hbm:s6], s20  }
0x9f: {  	_ =	swait.ge [sflag:s22], s20  }
0xa0: {  	s5 =	ssub.s32 $0x0, s20;
	[sflag:s22] =	ssyncset.done $0x0  }
0xa1: {  	[sflag:s22] =	ssyncadd.s32 s5;
	_ =	sdelay $0x1  }
0xa2: {  	s23 =	simm.s32 $0x1B8B  }
0xa3: {  	_ =	swait.ge [sflag:s23], $0x1  }
0xa4: {  	[sflag:s23] =	ssyncset.done $0x0  }
0xa5: {  	s25 =	simm.s32 $0x1B8E;
	s24 =	sld [smem:$0x3FFE];
	[sflag:s23] =	ssyncadd.s32 $0xFFFFFFFF  }
0xa6: {  	s26 =	simm.s32 $execute0_lowered;
	[smem:$0x3FD2] =	sst s25  }
0xa7: {  	s6 =	sshll.u32 s26, $0x1;
	_ =	strace $0x80000046;
	[dreg:$0x1] =	wrdreg $0xFFFFFFFF  }
0xa8: {  	s28 =	simm.s32 $_size_execute0_lowered;
	s4 =	sadd.s32 s4, s6;
	[dreg:$0x0] =	wrdreg $0x0  }
0xa9: {  	s6 =	sshll.u32 s28, $0x1;
	[dreg:$0x2] =	wrdreg s4  }
0xaa: {  	[dreg:$0x3] =	wrdreg s6  }
0xab: {  	[dreg:$0x4] =	wrdreg $0xC0  }
0xac: {  	_ =	task [dreg:s8], $0x5FFFF  }
0xad: {  	[dreg:$0x1] =	wrdreg $0xFFFFFFFF  }
0xae: {  	[dreg:$0x0] =	wrdreg $0x60  }
0xaf: {  	[dreg:$0x2] =	wrdreg s24  }
0xb0: {  	[dreg:$0x3] =	wrdreg s2  }
0xb1: {  	[dreg:$0x4] =	wrdreg s18  }
0xb2: {  	[dreg:$0x5] =	wrdreg $0x9  }
0xb3: {  	_ =	task.clear_ibuf [dreg:s8], $0x6FFFF;
	_ =	strace $0x90000046  }
0xb4: {  	s29 =	simm.s32 $0x9;
	_ =	strace $0x80000048  }
0xb5: {  	_ =	swait.ge [sflag:s29], $0x1  }
0xb6: {  	[sflag:s29] =	ssyncadd.s32 $0xFFFFFFFF  }
0xb7: {  	_ =	strace $0x90000048  }
0xb8: {  	_ =	sfence  }
0xb9: {  	s30 =	sld [smem:$0x0];
	_ =	sdelay $0x2  }
0xba: {  	s31 =	sshll.u32 s1, $0xD;
	s1 =	sshrl.u32 s1, $0x2  }
0xbb: {  	s3 =	sand.u32 $0x4000, s31;
	s1 =	sadd.s32 s1, s30  }
0xbc: {  	s0 =	sor.u32 s3, s0;
	s1 =	sshll.u32 s1, $0x11  }
0xbd: {  	s0 =	sor.u32 s1, s0  }
0xbe: {  	s0 =	sadd.s32 $0x8F2B, s0  }
0xbf: {  	[sflag:s0] =	ssyncadd.remote.s32 $0x1  }
0xc0: {  	_ =	sfence.sel $0xFFFF  }
0xc1: {  	[dreg:$0x0] =	wrdreg $0xFFFFFFFF;
	(pc) =	sbr.abs _section_cstart, $3  }
0xc2: {  	[dreg:$0x1] =	wrdreg $0xFFFFFFFF  }
0xc3: {  	_ =	task.clear_ibuf [dreg:s8], $0x2FFFF;
	_ =	strace $0x9FFFFFFF  }
0xc4: {  	(tm) =	ssettm $0x7FFFFFFF  }
0xc5: {  	_ =	shalt  }
tec
execute0_lowered:
.L_overlay_start_1:
0x0: {  	(tag) =	ssettag $0x1  }
0x1: {  	s0 =	rddreg [dreg:$0x0]  }
0x2: {  	s2 =	rddreg [dreg:$0x1]  }
0x3: {  	s1 =	rddreg [dreg:$0x2];
	s4 =	srdreg.scid  }
0x4: {  	s8 =	stileid.u32;
	s3 =	simm.s32 $0x0;
	s13 =	simm.s32 $0x80  }
0x5: {  	s15 =	simm.s32 $0x3;
	s16 =	simm.s32 $0x1C00;
	s17 =	simm.s32 $0x5C00  }
0x6: {  	s21 =	simm.s32 $0xDC00;
	s23 =	simm.s32 $0x11C00;
	s28 =	simm.s32 $0x2  }
0x7: {  	s29 =	simm.s32 $0x0;
	s9 =	sand.u32 $0x1, s4;
	s25 =	sshll.u32 s8, $0x1  }
0x8: {  	[smem:$0x7FF] =	sst s3;
	s30 =	sshll.u32 s8, $0xC;
	s4 =	sor.u32 s9, s25  }
0x9: {  	_ =	strace $0x80000047;
	s6 =	ssub.s32 $0x2, s9;
	s31 =	sshll.u32 s9, $0xB  }
0xa: {  	s25 =	simm.s32 $0x15C00;
	s5 =	sshll.u32 s4, $0x4;
	s26 =	sshrl.u32 s6, $0x1  }
0xb: {  	s7 =	sshll.u32 s4, $0xB;
	s0 =	sadd.s32 s5, s0;
	s11 =	ssub.s32 s6, s26  }
0xc: {  	s5 =	sadd.s32 s1, s7;
	s26 =	simm.s32 $0x1;
	s4 =	sadd.s32 $0x400, s0  }
0xd: {  	s6 =	sadd.s32 $0x2D0000, s5;
	s7 =	sadd.s32 $0x2E0000, s5;
	s0 =	sadd.s32 s30, s1  }
0xe: {  	s8 =	sadd.s32 $0x2F0000, s5;
	s9 =	sadd.s32 $0x300000, s5;
	s0 =	sadd.s32 s31, s0  }
0xf: {  	s10 =	sadd.s32 $0x310000, s5;
	s11 =	smax.u32 s11, $0x1;
	s12 =	sadd.s32 $0x10000, s0  }
.LBB2_1:
0x10: {  	s0 =	simm.s32 $0x1000  }
0x11: {  	[tilespmem:s3], [sflag:$0x3] =	stream.strided.gather [hbm4b:s4+s13], $0x1900, s0, s13, $0x38;
	[tilespmem:$0x19C00] =	vst v63  }
0x12: {  	_ =	swait.ge [sflag:s15], $0x1900  }
0x13: {  	[sflag:s15] =	ssyncset.done $0x0  }
0x14: {  	s22 =	simm.s32 $0x6;
	[sflag:s15] =	ssyncadd.s32 $0xFFFFE700  }
0x15: {  	[tilespmem:s16], [sflag:$0x1] =	stream.indirect.gather [hbm4b:s2+s13], $0x80, s3, s13, $0xb8;
	[tilespmem:$0x19C00] =	vst v63  }
0x16: {  	s14 =	simm.s32 $0x100;
	s1 =	simm.s32 $0x9C00;
	s0 =	smul.u32 $0xAB, s22  }
0x17: {  	[tilespmem:s17], [sflag:$0x1] =	stream.indirect.gather [hbm4b:s2+s13], $0x80, s13, s13, $0xb8;
	[tilespmem:$0x19C00] =	vst v63  }
0x18: {  	s18 =	simm.s32 $0x180;
	s24 =	sadd.s32 $0xFFFFFCA9, s0;
	s0 =	sshrl.u32 s0, $0xA  }
0x19: {  	[tilespmem:s1], [sflag:$0x1] =	stream.indirect.gather [hbm4b:s2+s13], $0x80, s14, s13, $0xb8;
	[tilespmem:$0x19C00] =	vst v63  }
0x1a: {  	s19 =	simm.s32 $0x200;
	s0 =	sand.u32 $0x3F, s0;
	s1 =	sshrl.u32 s24, $0xA  }
0x1b: {  	[tilespmem:s21], [sflag:$0x1] =	stream.indirect.gather [hbm4b:s2+s13], $0x80, s18, s13, $0xb8;
	[tilespmem:$0x19C00] =	vst v63  }
0x1c: {  	s20 =	simm.s32 $0x280;
	s0 =	smul.u32 $0x6, s0;
	s1 =	sand.u32 $0x3F, s1  }
0x1d: {  	[tilespmem:s23], [sflag:$0x1] =	stream.indirect.gather [hbm4b:s2+s13], $0x80, s19, s13, $0xb8;
	[tilespmem:$0x19C00] =	vst v63  }
0x1e: {  	s30 =	simm.s32 $0x300;
	s0 =	ssub.s32 $0x6, s0;
	s1 =	smul.u32 $0x6, s1  }
0x1f: {  	[tilespmem:s25], [sflag:$0x1] =	stream.indirect.gather [hbm4b:s2+s13], $0x80, s20, s13, $0xb8;
	[tilespmem:$0x19C00] =	vst v63  }
0x20: {  	s31 =	simm.s32 $0x7;
	s0 =	sand.u32 $0xFF, s0;
	_ =	swait.ge [sflag:s26], $0x4000  }
0x21: {  	s0 =	sshll.u32 s0, $0xE;
	s1 =	ssub.s32 $0x6, s1;
	[sflag:s26] =	ssyncset.done $0x0  }
0x22: {  	s14 =	smul.u32 $0xAB, s31;
	s1 =	sadd.s32 $0xFFFFFFFB, s1;
	[sflag:s26] =	ssyncadd.s32 $0xFFFFC000  }
0x23: {  	[hbm4b:s5+s3] =	stream.linear.scatter [tilespmem:s16], [sflag:$0x2], $0x4000, $0x38;
	[tilespmem:$0x19C00] =	vst v63  }
0x24: {  	s18 =	sshrl.u32 s14, $0xA;
	s1 =	sand.u32 $0xFF, s1;
	_ =	swait.ge [sflag:s26], $0x4000  }
0x25: {  	s14 =	sadd.s32 $0xFFFFFCA9, s14;
	s1 =	sshll.u32 s1, $0xE;
	[sflag:s26] =	ssyncset.done $0x0  }
0x26: {  	s18 =	sand.u32 $0x3F, s18;
	s1 =	sor.u32 $0x1C00, s1;
	[sflag:s26] =	ssyncadd.s32 $0xFFFFC000  }
0x27: {  	[hbm4b:s12+s3] =	stream.linear.scatter [tilespmem:s1], [sflag:$0x2], $0x4000, $0x38;
	[tilespmem:$0x19C00] =	vst v63  }
0x28: {  	s19 =	simm.s32 $0x8;
	s18 =	smul.u32 $0x6, s18;
	_ =	swait.ge [sflag:s28], $0x4000  }
0x29: {  	s20 =	sshrl.u32 s14, $0xA;
	s14 =	simm.s32 $0x300;
	[sflag:s28] =	ssyncset.done $0x0  }
0x2a: {  	s1 =	sor.u32 $0x1C00, s0;
	s0 =	sadd.s32 $0x10000, s12;
	[sflag:s28] =	ssyncadd.s32 $0xFFFFC000  }
.LBB2_2:
0x2b: {  	s20 =	sand.u32 $0x3F, s20  }
0x2c: {  	s30 =	sadd.s32 $0x80, s30;
	s22 =	smov.u32 s19;
	s24 =	sadd.s32 $0x1, s19  }
0x2d: {  	p0 =	sne.s32 s19, $0x31;
	s19 =	smul.u32 $0x6, s20;
	s18 =	ssub.s32 s31, s18  }
0x2e: {  	[tilespmem:s1], [sflag:$0x1] =	stream.indirect.gather [hbm4b:s2+s13], $0x80, s14, s13, $0xb8;
	[tilespmem:$0x19C00] =	vst v63  }
0x2f: {  	s14 =	sand.u32 $0xFF, s18;
	s1 =	ssub.s32 s31, s19;
	s31 =	smov.u32 s22  }
0x30: {  	s18 =	sshll.u32 s14, $0xE;
	s14 =	smov.u32 s30;
	s1 =	sadd.s32 $0xFFFFFFFB, s1  }
0x31: {  	_ =	swait.ge [sflag:s26], $0x4000;
	s19 =	sand.u32 $0xFF, s1;
	s1 =	sor.u32 $0x1C00, s18  }
0x32: {  	s18 =	smul.u32 $0xAB, s31;
	[sflag:s26] =	ssyncset.done $0x0;
	s19 =	sshll.u32 s19, $0xE  }
0x33: {  	[sflag:s26] =	ssyncadd.s32 $0xFFFFC000;
	s19 =	sor.u32 $0x1C00, s19  }
0x34: {  	[hbm4b:s0+s3] =	stream.linear.scatter [tilespmem:s19], [sflag:$0x2], $0x4000, $0x38;
	[tilespmem:$0x19C00] =	vst v63  }
.Ltmp0:
0x35: {  	_ = 	snop;
	(pc) =	sbr.rel @p0 .LBB2_2-.Ltmp0, $4  }
0x36: {  	s19 =	sshrl.u32 s18, $0xA  }
0x37: {  	s0 =	sadd.s32 $0x10000, s0;
	s18 =	sadd.s32 $0xFFFFFCA9, s18;
	_ =	swait.ge [sflag:s28], $0x4000  }
0x38: {  	s19 =	sand.u32 $0x3F, s19;
	s20 =	sshrl.u32 s18, $0xA;
	[sflag:s28] =	ssyncset.done $0x0  }
0x39: {  	s18 =	smul.u32 $0x6, s19;
	s19 =	smov.u32 s24;
	[sflag:s28] =	ssyncadd.s32 $0xFFFFC000  }
0x3a: {  	s19 =	sand.u32 $0x3F, s20  }
0x3b: {  	s19 =	smul.u32 $0x6, s19  }
0x3c: {  	[tilespmem:s1], [sflag:$0x1] =	stream.indirect.gather [hbm4b:s2+s13], $0x80, s14, s13, $0xb8;
	[tilespmem:$0x19C00] =	vst v63  }
0x3d: {  	s20 =	ssub.s32 s31, s19  }
0x3e: {  	s1 =	sadd.s32 $0xFFFFFFFB, s20  }
0x3f: {  	_ =	swait.ge [sflag:s26], $0x4000;
	s1 =	sand.u32 $0xFF, s1  }
0x40: {  	[sflag:s26] =	ssyncset.done $0x0;
	s1 =	sshll.u32 s1, $0xE  }
0x41: {  	s22 =	ssub.s32 s31, s18;
	[sflag:s26] =	ssyncadd.s32 $0xFFFFC000;
	s1 =	sor.u32 $0x1C00, s1  }
0x42: {  	[hbm4b:s0+s3] =	stream.linear.scatter [tilespmem:s1], [sflag:$0x2], $0x4000, $0x38;
	[tilespmem:$0x19C00] =	vst v63  }
0x43: {  	s24 =	sand.u32 $0xFF, s22;
	_ =	swait.ge [sflag:s28], $0x4000  }
0x44: {  	s0 =	sshll.u32 s24, $0xE;
	[sflag:s28] =	ssyncset.done $0x0  }
0x45: {  	s31 =	sadd.s32 $0x80, s30;
	s0 =	sor.u32 $0x1C00, s0;
	[sflag:s28] =	ssyncadd.s32 $0xFFFFC000  }
0x46: {  	[tilespmem:s0], [sflag:$0x1] =	stream.indirect.gather [hbm4b:s2+s13], $0x80, s31, s13, $0xb8;
	[tilespmem:$0x19C00] =	vst v63  }
0x47: {  	_ =	swait.ge [sflag:s26], $0x4000  }
0x48: {  	[sflag:s26] =	ssyncset.done $0x0  }
0x49: {  	[sflag:s26] =	ssyncadd.s32 $0xFFFFC000  }
0x4a: {  	[hbm4b:s6+s3] =	stream.linear.scatter [tilespmem:s21], [sflag:$0x2], $0x4000, $0x38;
	[tilespmem:$0x19C00] =	vst v63  }
0x4b: {  	_ =	swait.ge [sflag:s28], $0x4000  }
0x4c: {  	[sflag:s28] =	ssyncset.done $0x0  }
0x4d: {  	[sflag:s28] =	ssyncadd.s32 $0xFFFFC000  }
0x4e: {  	_ =	swait.ge [sflag:s26], $0x4000  }
0x4f: {  	[sflag:s26] =	ssyncset.done $0x0  }
0x50: {  	[sflag:s26] =	ssyncadd.s32 $0xFFFFC000  }
0x51: {  	[hbm4b:s7+s3] =	stream.linear.scatter [tilespmem:s23], [sflag:$0x2], $0x4000, $0x38;
	[tilespmem:$0x19C00] =	vst v63  }
0x52: {  	_ =	swait.ge [sflag:s28], $0x4000  }
0x53: {  	[sflag:s28] =	ssyncset.done $0x0  }
0x54: {  	[sflag:s28] =	ssyncadd.s32 $0xFFFFC000  }
0x55: {  	_ =	swait.ge [sflag:s26], $0x4000  }
0x56: {  	[sflag:s26] =	ssyncset.done $0x0  }
0x57: {  	[sflag:s26] =	ssyncadd.s32 $0xFFFFC000  }
0x58: {  	[hbm4b:s8+s3] =	stream.linear.scatter [tilespmem:s25], [sflag:$0x2], $0x4000, $0x38;
	[tilespmem:$0x19C00] =	vst v63  }
0x59: {  	_ =	swait.ge [sflag:s28], $0x4000  }
0x5a: {  	[sflag:s28] =	ssyncset.done $0x0  }
0x5b: {  	[sflag:s28] =	ssyncadd.s32 $0xFFFFC000  }
0x5c: {  	_ =	swait.ge [sflag:s26], $0x4000  }
0x5d: {  	[sflag:s26] =	ssyncset.done $0x0  }
0x5e: {  	[sflag:s26] =	ssyncadd.s32 $0xFFFFC000  }
0x5f: {  	[hbm4b:s9+s3] =	stream.linear.scatter [tilespmem:s16], [sflag:$0x2], $0x4000, $0x38;
	[tilespmem:$0x19C00] =	vst v63  }
0x60: {  	_ =	swait.ge [sflag:s28], $0x4000  }
0x61: {  	[sflag:s28] =	ssyncset.done $0x0  }
0x62: {  	[sflag:s28] =	ssyncadd.s32 $0xFFFFC000  }
0x63: {  	_ =	swait.ge [sflag:s26], $0x4000  }
0x64: {  	[sflag:s26] =	ssyncset.done $0x0  }
0x65: {  	s29 =	sadd.s32 $0x1, s29;
	[sflag:s26] =	ssyncadd.s32 $0xFFFFC000  }
0x66: {  	[hbm4b:s10+s3] =	stream.linear.scatter [tilespmem:s17], [sflag:$0x2], $0x4000, $0x38;
	[tilespmem:$0x19C00] =	vst v63  }
0x67: {  	p0 =	sne.s32 s29, s11;
	_ =	swait.ge [sflag:s28], $0x4000  }
.Ltmp1:
0x68: {  	[sflag:s28] =	ssyncset.done $0x0;
	(pc) =	sbr.rel @p0 .LBB2_1-.Ltmp1, $4  }
0x69: {  	[sflag:s28] =	ssyncadd.s32 $0xFFFFC000  }
0x6a: {  	_ =	swait.ge [sflag:s28], $0x4000  }
0x6b: {  	[sflag:s28] =	ssyncset.done $0x0  }
0x6c: {  	[sflag:s28] =	ssyncadd.s32 $0xFFFFC000  }
0x6d: {  	_ =	sfence.sel $0x180000  }
0x6e: {  	[bflag:$0x0] =	sbarrier.arrive $0xFFFF  }
0x6f: {  	_ =	strace $0x90000047  }
0x70: {  	s0 =	stileid.u32;
	[bflag:$0x2] =	sbarrier.arrive $0xFFFF  }
0x71: {  	p0 =	sne.s32 s0, $0x0;
	s0 =	rddreg [dreg:$0x3]  }
0x72: {  	s0 =	sadd.s32 @!p0 $0x100000, s0  }
0x73: {  	[sflag:s0] =	ssyncadd.tile.s32 @!p0 $0x1;
	_ =	shalt  }
.Lfunc_end2:
_tile_overlayer_lowered:
.L_overlay_start_2:
0x74: {  	(tag) =	ssettag $0x2  }
0x75: {  	s0 =	rddreg [dreg:$0x0];
	s2 =	stileid.u32  }
0x76: {  	s1 =	rddreg [dreg:$0x1];
	p0 =	sne.s32 s2, $0x0  }
0x77: {  	s3 =	rddreg [dreg:$0x2];
	[bflag:$0x3] =	sbarrier.arrive $0xFFFF;
	s2 =	simm.s32 @!p0 $0x1C03  }
0x78: {  	[timem:s3], [sflag:s2] =	dma.local @!p0 [hbm:s0], s1  }
0x79: {  	s0 =	simm.s32 @!p0 $0x3  }
0x7a: {  	_ =	swait.ge @!p0 [sflag:s0], s1  }
0x7b: {  	s1 =	ssub.s32 @!p0 $0x0, s1;
	[sflag:s0] =	ssyncset.done @!p0 $0x0  }
0x7c: {  	[sflag:s0] =	ssyncadd.s32 @!p0 s1  }
0x7d: {  	[bflag:$0x3] =	sbarrier.arrive $0xFFFF  }
0x7e: {  	_ =	shalt  }

</sc_bundles>
